<compile_context>
chip_gen: v7x
topology: tpu7x:2x2x1
jax: 0.10.2.dev20260603
libtpu: 0.0.44.dev20260713+nightly
codegen_flags: <defaults>
</compile_context>

<pallas_src>
import functools

import jax
import jax.numpy as jnp
from jax import lax
from jax.experimental import pallas as pl
from jax.experimental.pallas import tpu as pltpu
from jax.experimental.pallas import tpu_sc as plsc

N = 10000
E = 320000
D = 128

NC = 2
NS = 16
NW = NC * NS
EPT = E // NW
K = 80
NCHUNK = EPT // K
RPT = 624
ZR = 32

_mesh = plsc.VectorSubcoreMesh(core_axis_name="c", subcore_axis_name="s")


@functools.partial(
    pl.kernel,
    out_type=jax.ShapeDtypeStruct((NC, N, D), jnp.float32),
    mesh=_mesh,
    scratch_types=[
        pltpu.VMEM((EPT,), jnp.int32),
        pltpu.VMEM((K,), jnp.int32),
        pltpu.VMEM((K,), jnp.int32),
        pltpu.VMEM((K,), jnp.int32),
        pltpu.VMEM((K, D), jnp.float32),
        pltpu.VMEM((K, D), jnp.float32),
        pltpu.VMEM((K, D), jnp.float32),
        pltpu.VMEM((ZR, D), jnp.float32),
        pltpu.VMEM_SHARED((N, D), jnp.float32),
        pltpu.SemaphoreType.DMA,
        pltpu.SemaphoreType.DMA,
        pltpu.SemaphoreType.DMA,
        pltpu.SemaphoreType.DMA,
        pltpu.SemaphoreType.DMA,
        pltpu.SemaphoreType.DMA,
        pltpu.SemaphoreType.DMA,
    ],
)
def _aggregate(x_hbm, edge_hbm, out_hbm, src_all,
               dv0, dv1, dv2, rb0, rb1, rb2,
               zbuf_v, acc_sh, gs0, gs1, gs2, ds0, ds1, ds2, psem):
    dstv = [dv0, dv1, dv2]
    rows = [rb0, rb1, rb2]
    gsem = [gs0, gs1, gs2]
    dsem = [ds0, ds1, ds2]
    c = lax.axis_index("c")
    s = lax.axis_index("s")
    wid = s * NC + c
    ebase = wid * EPT

    pltpu.async_copy(edge_hbm.at[pl.ds(ebase, EPT)], src_all, gsem[0])

    zero = jnp.zeros((16,), jnp.float32)
    nlane = D // 16

    def zfill(i, carry):
        zbuf_v[i // nlane, pl.ds((i % nlane) * 16, 16)] = zero
        return carry

    lax.fori_loop(0, ZR * nlane, zfill, 0)

    NZ = 640 // ZR

    def zissue(j, carry):
        pltpu.async_copy(zbuf_v, acc_sh.at[pl.ds(s * RPT + j * ZR, ZR)], psem)
        return carry

    lax.fori_loop(0, NZ, zissue, 0)

    pltpu.make_async_copy(edge_hbm.at[pl.ds(0, EPT)], src_all, gsem[0]).wait()

    def issue_gather(chunk, b):
        pltpu.async_copy(x_hbm.at[src_all.at[pl.ds(chunk * K, K)]],
                         rows[b], gsem[b])

    def wait_gather(b):
        pltpu.make_async_copy(x_hbm.at[pl.ds(0, K)], rows[b], gsem[b]).wait()

    def issue_dst(chunk, b):
        pltpu.async_copy(edge_hbm.at[pl.ds(E + ebase + chunk * K, K)],
                         dstv[b], dsem[b])

    def wait_dst(b):
        pltpu.make_async_copy(edge_hbm.at[pl.ds(0, K)], dstv[b], dsem[b]).wait()

    def scatter(b):
        pltpu.sync_copy(rows[b], acc_sh.at[dstv[b]], add=True)

    def step(chunk, b, issue_g=True, issue_d=True):
        if issue_g:
            issue_gather(chunk + 2, (b + 2) % 3)
        if issue_d:
            issue_dst(chunk + 1, (b + 1) % 3)
        wait_gather(b)
        wait_dst(b)
        scatter(b)

    issue_gather(0, 0)
    issue_dst(0, 0)
    issue_gather(1, 1)
    issue_dst(1, 1)

    def zdrain(j, carry):
        pltpu.make_async_copy(zbuf_v, acc_sh.at[pl.ds(0, ZR)], psem).wait()
        return carry

    lax.fori_loop(0, NZ, zdrain, 0)

    plsc.subcore_barrier()

    step(0, 0, issue_d=False)

    NG = (NCHUNK - 5) // 3

    def group(j, carry):
        c0 = 3 * j + 1
        step(c0 + 0, 1)
        step(c0 + 1, 2)
        step(c0 + 2, 0)
        return carry

    lax.fori_loop(0, NG, group, 0)

    step(NCHUNK - 4, (NCHUNK - 4) % 3)
    step(NCHUNK - 3, (NCHUNK - 3) % 3)
    step(NCHUNK - 2, (NCHUNK - 2) % 3, issue_g=False)
    step(NCHUNK - 1, (NCHUNK - 1) % 3, issue_g=False, issue_d=False)

    plsc.subcore_barrier()

    pltpu.sync_copy(
        acc_sh.at[pl.ds(s * RPT, RPT)],
        out_hbm.at[c, pl.ds(s * RPT, RPT)],
    )

    @pl.when(s == NS - 1)
    def _tail():
        pltpu.sync_copy(
            acc_sh.at[pl.ds(NS * RPT, N - NS * RPT)],
            out_hbm.at[c, pl.ds(NS * RPT, N - NS * RPT)],
        )


BR = 2000


def _mm_body(p_ref, w_ref, o_ref):
    a = p_ref[0] + p_ref[1]
    o_ref[...] = jnp.dot(a, w_ref[...], preferred_element_type=jnp.float32)


def _matmul(partials, W):
    return pl.pallas_call(
        _mm_body,
        grid=(N // BR,),
        in_specs=[
            pl.BlockSpec((NC, BR, D), lambda i: (0, i, 0)),
            pl.BlockSpec((D, D), lambda i: (0, 0)),
        ],
        out_specs=pl.BlockSpec((BR, D), lambda i: (i, 0)),
        out_shape=jax.ShapeDtypeStruct((N, D), jnp.float32),
    )(partials, W)


@jax.jit
def _run(x, edge_index, W):
    partials = _aggregate(x, edge_index.astype(jnp.int32).reshape(-1))
    return _matmul(partials, W)


def kernel(x, edge_index, W):
    return _run(x, edge_index, W)

# --- scband reference (transcript-rebuilt; emitter-appended) ---
"""Pipeline reference for scband-vanilla-gnnlayer-53446573032075 (READ-ONLY COPY).

The authoritative reference and input builder live on the scoring server;
editing this copy changes nothing except your own understanding.
"""

import jax, jax.numpy as jnp
import numpy as np

N = 10000
E = 320000
D_IN = 128
D_OUT = 128


def setup_inputs(seed: int = 0) -> dict:
    key = jax.random.key(seed)
    k1, k2, k3 = jax.random.split(key, 3)
    x = jax.random.normal(k1, (N, D_IN), dtype=jnp.float32)
    edge_index = jax.random.randint(k2, (2, E), 0, N)
    # glorot uniform init for Dense kernel [D_IN, D_OUT]
    limit = float(np.sqrt(6.0 / (D_IN + D_OUT)))
    W = jax.random.uniform(k3, (D_IN, D_OUT), dtype=jnp.float32, minval=-limit, maxval=limit)
    return {"x": x, "edge_index": edge_index, "W": W}


def reference(x, edge_index, W):
    # x = self.linear(x)  (Dense, no bias)
    y = jnp.dot(x, W)
    # x = tf.sparse.sparse_dense_matmul(adjacency, x)
    # adjacency is a binary sparse [N, N] matrix with entries A[dst, src] = 1
    # out[dst] = sum over incoming edges of y[src]
    src = edge_index[0]
    dst = edge_index[1]
    out = jax.ops.segment_sum(jnp.take(y, src, axis=0), dst, num_segments=N)
    return out

if __name__ == "__main__":
    import jax
    _d = setup_inputs()
    print(jax.jit(kernel)(*tuple(_d.values())))

</pallas_src>

<mosaic_0001>
#map = affine_map<(d0, d1) -> (0, 0)>
#map1 = affine_map<(d0, d1) -> (0)>
#map2 = affine_map<(d0, d1) -> (0, 0, 0)>
module attributes {stable_mosaic.version = 14 : i64} {
  func.func @_aggregate(%arg0: i32, %arg1: i32, %arg2: memref<10000x128xf32, #tpu.memory_space<hbm>>, %arg3: memref<640000xi32, #tpu.memory_space<hbm>>, %arg4: memref<2x10000x128xf32, #tpu.memory_space<hbm>>, %arg5: memref<10000xi32, #tpu.memory_space<vmem>>, %arg6: memref<80xi32, #tpu.memory_space<vmem>>, %arg7: memref<80xi32, #tpu.memory_space<vmem>>, %arg8: memref<80xi32, #tpu.memory_space<vmem>>, %arg9: memref<80x128xf32, #tpu.memory_space<vmem>>, %arg10: memref<80x128xf32, #tpu.memory_space<vmem>>, %arg11: memref<80x128xf32, #tpu.memory_space<vmem>>, %arg12: memref<32x128xf32, #tpu.memory_space<vmem>>, %arg13: memref<10000x128xf32, #tpu.memory_space<vmem_shared>>, %arg14: memref<!tpu.dma_semaphore, #tpu.memory_space<semaphore_mem>>, %arg15: memref<!tpu.dma_semaphore, #tpu.memory_space<semaphore_mem>>, %arg16: memref<!tpu.dma_semaphore, #tpu.memory_space<semaphore_mem>>, %arg17: memref<!tpu.dma_semaphore, #tpu.memory_space<semaphore_mem>>, %arg18: memref<!tpu.dma_semaphore, #tpu.memory_space<semaphore_mem>>, %arg19: memref<!tpu.dma_semaphore, #tpu.memory_space<semaphore_mem>>, %arg20: memref<!tpu.dma_semaphore, #tpu.memory_space<semaphore_mem>>) attributes {dimension_semantics = [#tpu.dimension_semantics<core_parallel>, #tpu.dimension_semantics<subcore_parallel>], iteration_bounds = array<i64: 2, 16>, scalar_prefetch = 0 : i64, scratch_operands = 16 : i64, tpu.core_type = #tpu.core_type<sc_vector_subcore>, window_params = [{transform_indices = #map}, {transform_indices = #map1}, {transform_indices = #map2}]} {
    %mul3A = arith.constant 2 : i32
    %mul3A_0 = arith.muli %arg1, %mul3A : i32
    %add3A = arith.addi %mul3A_0, %arg0 : i32
    %mul3A_1 = arith.constant 10000 : i32
    %mul3A_2 = arith.muli %add3A, %mul3A_1 : i32
    %dma_start3A = tpu.memref_slice %arg3[%mul3A_2] : memref<640000xi32, #tpu.memory_space<hbm>> -> memref<10000xi32, #tpu.memory_space<hbm>>
    %dma_start3A_3 = tpu.memref_slice %arg3[%mul3A_2] : memref<640000xi32, #tpu.memory_space<hbm>> -> memref<10000xi32, #tpu.memory_space<hbm>>
    tpu.enqueue_dma source(%dma_start3A_3 : memref<10000xi32, #tpu.memory_space<hbm>>) target(%arg5 : memref<10000xi32, #tpu.memory_space<vmem>>) target_semaphore(%arg14 : memref<!tpu.dma_semaphore, #tpu.memory_space<semaphore_mem>>)
    %broadcast_in_dim3A = arith.constant 0.000000e+00 : f32
    %broadcast_in_dim3A_4 = vector.broadcast %broadcast_in_dim3A : f32 to vector<16xf32>
    %scan3A = arith.constant 0 : i32
    %scan3A_5 = arith.constant 0 : i32
    %scan3A_6 = arith.constant 256 : i32
    %scan3A_7 = arith.addi %scan3A_5, %scan3A_6 : i32
    %scan3A_8 = arith.constant 1 : i32
    scf.for %scan3A_143 = %scan3A_5 to %scan3A_7 step %scan3A_8  : i32 {
      %jit3A = arith.constant 8 : i32
      %div3A = arith.divsi %scan3A_143, %jit3A : i32
      %sign3A = arith.constant 0 : i32
      %sign3A_144 = arith.cmpi sgt, %scan3A_143, %sign3A : i32
      %sign3A_145 = arith.extui %sign3A_144 : i1 to i32
      %sign3A_146 = arith.constant 0 : i32
      %sign3A_147 = arith.cmpi slt, %scan3A_143, %sign3A_146 : i32
      %sign3A_148 = arith.extui %sign3A_147 : i1 to i32
      %sign3A_149 = arith.subi %sign3A_145, %sign3A_148 : i32
      %sign3A_150 = arith.constant 0 : i32
      %sign3A_151 = arith.cmpi sgt, %jit3A, %sign3A_150 : i32
      %sign3A_152 = arith.extui %sign3A_151 : i1 to i32
      %sign3A_153 = arith.constant 0 : i32
      %sign3A_154 = arith.cmpi slt, %jit3A, %sign3A_153 : i32
      %sign3A_155 = arith.extui %sign3A_154 : i1 to i32
      %sign3A_156 = arith.subi %sign3A_152, %sign3A_155 : i32
      %ne3A = arith.cmpi ne, %sign3A_149, %sign3A_156 : i32
      %rem3A = arith.remsi %scan3A_143, %jit3A : i32
      %ne3A_157 = arith.constant 0 : i32
      %ne3A_158 = arith.cmpi ne, %rem3A, %ne3A_157 : i32
      %and3A = arith.andi %ne3A, %ne3A_158 : i1
      %sub3A = arith.constant 1 : i32
      %sub3A_159 = arith.subi %div3A, %sub3A : i32
      %select_n3A = arith.select %and3A, %sub3A_159, %div3A : i32
      %jit3A_160 = arith.constant 8 : i32
      %eq3A_161 = arith.constant 0 : i32
      %eq3A_162 = arith.cmpi eq, %jit3A_160, %eq3A_161 : i32
      %jit3A_163 = arith.constant 1 : i32
      %select_n3A_164 = arith.select %eq3A_162, %jit3A_163, %jit3A_160 : i32
      %rem3A_165 = arith.remsi %scan3A_143, %select_n3A_164 : i32
      %ne3A_166 = arith.constant 0 : i32
      %ne3A_167 = arith.cmpi ne, %rem3A_165, %ne3A_166 : i32
      %lt3A = arith.constant 0 : i32
      %lt3A_168 = arith.cmpi slt, %rem3A_165, %lt3A : i32
      %lt3A_169 = arith.constant 0 : i32
      %lt3A_170 = arith.cmpi slt, %select_n3A_164, %lt3A_169 : i32
      %ne3A_171 = arith.xori %lt3A_168, %lt3A_170 : i1
      %and3A_172 = arith.andi %ne3A_171, %ne3A_167 : i1
      %add3A_173 = arith.addi %rem3A_165, %select_n3A_164 : i32
      %select_n3A_174 = arith.select %and3A_172, %add3A_173, %rem3A_165 : i32
      %mul3A_175 = arith.constant 16 : i32
      %mul3A_176 = arith.muli %select_n3A_174, %mul3A_175 : i32
      %swap3A = arith.index_cast %select_n3A : i32 to index
      %swap3A_177 = arith.index_cast %mul3A_176 : i32 to index
      %swap3A_178 = tpu.vector_load %arg12[%swap3A, %swap3A_177] {strides = array<i32>} : memref<32x128xf32, #tpu.memory_space<vmem>>, vector<1x16xf32>,
      %swap3A_179 = vector.shape_cast %swap3A_178 : vector<1x16xf32> to vector<16xf32>
      %swap3A_180 = vector.shape_cast %broadcast_in_dim3A_4 : vector<16xf32> to vector<1x16xf32>
      tpu.vector_store %arg12[%swap3A, %swap3A_177], %swap3A_180 {strides = array<i32>} : memref<32x128xf32, #tpu.memory_space<vmem>>, vector<1x16xf32>,
    }
    %scan3A_9 = arith.constant 256 : i32
    %scan3A_10 = arith.constant 0 : i32
    %scan3A_11 = arith.constant 0 : i32
    %scan3A_12 = arith.constant 20 : i32
    %scan3A_13 = arith.addi %scan3A_11, %scan3A_12 : i32
    %scan3A_14 = arith.constant 1 : i32
    scf.for %scan3A_143 = %scan3A_11 to %scan3A_13 step %scan3A_14  : i32 {
      %mul3A_144 = arith.constant 624 : i32
      %mul3A_145 = arith.muli %arg1, %mul3A_144 : i32
      %mul3A_146 = arith.constant 32 : i32
      %mul3A_147 = arith.muli %scan3A_143, %mul3A_146 : i32
      %add3A_148 = arith.addi %mul3A_145, %mul3A_147 : i32
      %dma_start3A_149 = arith.constant 0 : i32
      %dma_start3A_150 = tpu.memref_slice %arg13[%add3A_148, %dma_start3A_149] : memref<10000x128xf32, #tpu.memory_space<vmem_shared>> -> memref<32x128xf32, #tpu.memory_space<vmem_shared>>
      %dma_start3A_151 = arith.constant 0 : i32
      %dma_start3A_152 = tpu.memref_slice %arg13[%add3A_148, %dma_start3A_151] : memref<10000x128xf32, #tpu.memory_space<vmem_shared>> -> memref<32x128xf32, #tpu.memory_space<vmem_shared>>
      tpu.enqueue_dma source(%arg12 : memref<32x128xf32, #tpu.memory_space<vmem>>) target(%dma_start3A_152 : memref<32x128xf32, #tpu.memory_space<vmem_shared>>) target_semaphore(%arg20 : memref<!tpu.dma_semaphore, #tpu.memory_space<semaphore_mem>>)
    }
    %scan3A_15 = arith.constant 20 : i32
    %dma_wait3A = arith.constant 0 : i32
    %dma_wait3A_16 = tpu.memref_slice %arg3[%dma_wait3A] : memref<640000xi32, #tpu.memory_space<hbm>> -> memref<10000xi32, #tpu.memory_space<hbm>>
    %dma_wait3A_17 = arith.constant 0 : i32
    %dma_wait3A_18 = tpu.memref_slice %arg3[%dma_wait3A_17] : memref<640000xi32, #tpu.memory_space<hbm>> -> memref<10000xi32, #tpu.memory_space<hbm>>
    tpu.wait_dma2 semaphore(%arg14 : memref<!tpu.dma_semaphore, #tpu.memory_space<semaphore_mem>>) src(%dma_wait3A_18 : memref<10000xi32, #tpu.memory_space<hbm>>) dst(%arg5 : memref<10000xi32, #tpu.memory_space<vmem>>)
    %dma_start3A_19 = arith.constant 0 : i32
    %dma_start3A_20 = tpu.memref_slice %arg5[%dma_start3A_19] : memref<10000xi32, #tpu.memory_space<vmem>> -> memref<80xi32, #tpu.memory_space<vmem>>
    %dma_start3A_21 = arith.constant 0 : i32
    %dma_start3A_22 = arith.constant 0 : i32
    %dma_start3A_23 = tpu.memref_slice %arg2[%dma_start3A_21, %dma_start3A_22] : memref<10000x128xf32, #tpu.memory_space<hbm>> -> memref<10000x128xf32, #tpu.memory_space<hbm>>
    tpu.enqueue_indirect_dma source(%dma_start3A_23 : memref<10000x128xf32, #tpu.memory_space<hbm>>) target(%arg9 : memref<80x128xf32, #tpu.memory_space<vmem>>) offsets(%dma_start3A_20 : memref<80xi32, #tpu.memory_space<vmem>>) semaphore(%arg14 : memref<!tpu.dma_semaphore, #tpu.memory_space<semaphore_mem>>)
    %add3A_24 = arith.constant 320000 : i32
    %add3A_25 = arith.addi %add3A_24, %mul3A_2 : i32
    %add3A_26 = arith.constant 0 : i32
    %add3A_27 = arith.addi %add3A_25, %add3A_26 : i32
    %dma_start3A_28 = tpu.memref_slice %arg3[%add3A_27] : memref<640000xi32, #tpu.memory_space<hbm>> -> memref<80xi32, #tpu.memory_space<hbm>>
    %dma_start3A_29 = tpu.memref_slice %arg3[%add3A_27] : memref<640000xi32, #tpu.memory_space<hbm>> -> memref<80xi32, #tpu.memory_space<hbm>>
    tpu.enqueue_dma source(%dma_start3A_29 : memref<80xi32, #tpu.memory_space<hbm>>) target(%arg6 : memref<80xi32, #tpu.memory_space<vmem>>) target_semaphore(%arg17 : memref<!tpu.dma_semaphore, #tpu.memory_space<semaphore_mem>>)
    %dma_start3A_30 = arith.constant 80 : i32
    %dma_start3A_31 = tpu.memref_slice %arg5[%dma_start3A_30] : memref<10000xi32, #tpu.memory_space<vmem>> -> memref<80xi32, #tpu.memory_space<vmem>>
    %dma_start3A_32 = arith.constant 0 : i32
    %dma_start3A_33 = arith.constant 0 : i32
    %dma_start3A_34 = tpu.memref_slice %arg2[%dma_start3A_32, %dma_start3A_33] : memref<10000x128xf32, #tpu.memory_space<hbm>> -> memref<10000x128xf32, #tpu.memory_space<hbm>>
    tpu.enqueue_indirect_dma source(%dma_start3A_34 : memref<10000x128xf32, #tpu.memory_space<hbm>>) target(%arg10 : memref<80x128xf32, #tpu.memory_space<vmem>>) offsets(%dma_start3A_31 : memref<80xi32, #tpu.memory_space<vmem>>) semaphore(%arg15 : memref<!tpu.dma_semaphore, #tpu.memory_space<semaphore_mem>>)
    %add3A_35 = arith.constant 320000 : i32
    %add3A_36 = arith.addi %add3A_35, %mul3A_2 : i32
    %add3A_37 = arith.constant 80 : i32
    %add3A_38 = arith.addi %add3A_36, %add3A_37 : i32
    %dma_start3A_39 = tpu.memref_slice %arg3[%add3A_38] : memref<640000xi32, #tpu.memory_space<hbm>> -> memref<80xi32, #tpu.memory_space<hbm>>
    %dma_start3A_40 = tpu.memref_slice %arg3[%add3A_38] : memref<640000xi32, #tpu.memory_space<hbm>> -> memref<80xi32, #tpu.memory_space<hbm>>
    tpu.enqueue_dma source(%dma_start3A_40 : memref<80xi32, #tpu.memory_space<hbm>>) target(%arg7 : memref<80xi32, #tpu.memory_space<vmem>>) target_semaphore(%arg18 : memref<!tpu.dma_semaphore, #tpu.memory_space<semaphore_mem>>)
    %scan3A_41 = arith.constant 0 : i32
    %scan3A_42 = arith.constant 0 : i32
    %scan3A_43 = arith.constant 20 : i32
    %scan3A_44 = arith.addi %scan3A_42, %scan3A_43 : i32
    %scan3A_45 = arith.constant 1 : i32
    scf.for %scan3A_143 = %scan3A_42 to %scan3A_44 step %scan3A_45  : i32 {
      %dma_wait3A_144 = arith.constant 0 : i32
      %dma_wait3A_145 = arith.constant 0 : i32
      %dma_wait3A_146 = tpu.memref_slice %arg13[%dma_wait3A_144, %dma_wait3A_145] : memref<10000x128xf32, #tpu.memory_space<vmem_shared>> -> memref<32x128xf32, #tpu.memory_space<vmem_shared>>
      %dma_wait3A_147 = arith.constant 0 : i32
      %dma_wait3A_148 = arith.constant 0 : i32
      %dma_wait3A_149 = tpu.memref_slice %arg13[%dma_wait3A_147, %dma_wait3A_148] : memref<10000x128xf32, #tpu.memory_space<vmem_shared>> -> memref<32x128xf32, #tpu.memory_space<vmem_shared>>
      tpu.wait_dma2 semaphore(%arg20 : memref<!tpu.dma_semaphore, #tpu.memory_space<semaphore_mem>>) src(%arg12 : memref<32x128xf32, #tpu.memory_space<vmem>>) dst(%dma_wait3A_149 : memref<32x128xf32, #tpu.memory_space<vmem_shared>>)
    }
    %scan3A_46 = arith.constant 20 : i32
    %barrier3A = arith.constant 0 : index
    tpu.barrier barrier_id(%barrier3A)
    %dma_start3A_47 = arith.constant 160 : i32
    %dma_start3A_48 = tpu.memref_slice %arg5[%dma_start3A_47] : memref<10000xi32, #tpu.memory_space<vmem>> -> memref<80xi32, #tpu.memory_space<vmem>>
    %dma_start3A_49 = arith.constant 0 : i32
    %dma_start3A_50 = arith.constant 0 : i32
    %dma_start3A_51 = tpu.memref_slice %arg2[%dma_start3A_49, %dma_start3A_50] : memref<10000x128xf32, #tpu.memory_space<hbm>> -> memref<10000x128xf32, #tpu.memory_space<hbm>>
    tpu.enqueue_indirect_dma source(%dma_start3A_51 : memref<10000x128xf32, #tpu.memory_space<hbm>>) target(%arg11 : memref<80x128xf32, #tpu.memory_space<vmem>>) offsets(%dma_start3A_48 : memref<80xi32, #tpu.memory_space<vmem>>) semaphore(%arg16 : memref<!tpu.dma_semaphore, #tpu.memory_space<semaphore_mem>>)
    %dma_wait3A_52 = arith.constant 0 : i32
    %dma_wait3A_53 = arith.constant 0 : i32
    %dma_wait3A_54 = tpu.memref_slice %arg2[%dma_wait3A_52, %dma_wait3A_53] : memref<10000x128xf32, #tpu.memory_space<hbm>> -> memref<80x128xf32, #tpu.memory_space<hbm>>
    %dma_wait3A_55 = arith.constant 0 : i32
    %dma_wait3A_56 = arith.constant 0 : i32
    %dma_wait3A_57 = tpu.memref_slice %arg2[%dma_wait3A_55, %dma_wait3A_56] : memref<10000x128xf32, #tpu.memory_space<hbm>> -> memref<80x128xf32, #tpu.memory_space<hbm>>
    tpu.wait_dma2 semaphore(%arg14 : memref<!tpu.dma_semaphore, #tpu.memory_space<semaphore_mem>>) src(%dma_wait3A_57 : memref<80x128xf32, #tpu.memory_space<hbm>>) dst(%arg9 : memref<80x128xf32, #tpu.memory_space<vmem>>)
    %dma_wait3A_58 = arith.constant 0 : i32
    %dma_wait3A_59 = tpu.memref_slice %arg3[%dma_wait3A_58] : memref<640000xi32, #tpu.memory_space<hbm>> -> memref<80xi32, #tpu.memory_space<hbm>>
    %dma_wait3A_60 = arith.constant 0 : i32
    %dma_wait3A_61 = tpu.memref_slice %arg3[%dma_wait3A_60] : memref<640000xi32, #tpu.memory_space<hbm>> -> memref<80xi32, #tpu.memory_space<hbm>>
    tpu.wait_dma2 semaphore(%arg17 : memref<!tpu.dma_semaphore, #tpu.memory_space<semaphore_mem>>) src(%dma_wait3A_61 : memref<80xi32, #tpu.memory_space<hbm>>) dst(%arg6 : memref<80xi32, #tpu.memory_space<vmem>>)
    "tpu.region"() ({
      %run_scoped3A = tpu.sem_alloc : memref<!tpu.dma_semaphore, #tpu.memory_space<semaphore_mem>>
      %dma_start3A_143 = arith.constant 0 : i32
      %dma_start3A_144 = arith.constant 0 : i32
      %dma_start3A_145 = tpu.memref_slice %arg13[%dma_start3A_143, %dma_start3A_144] : memref<10000x128xf32, #tpu.memory_space<vmem_shared>> -> memref<10000x128xf32, #tpu.memory_space<vmem_shared>>
      tpu.enqueue_indirect_dma source(%arg9 : memref<80x128xf32, #tpu.memory_space<vmem>>) target(%dma_start3A_145 : memref<10000x128xf32, #tpu.memory_space<vmem_shared>>) offsets(%arg6 : memref<80xi32, #tpu.memory_space<vmem>>) semaphore(%run_scoped3A : memref<!tpu.dma_semaphore, #tpu.memory_space<semaphore_mem>>) {add = true}
      %dma_wait3A_146 = arith.constant 0 : i32
      %dma_wait3A_147 = arith.constant 0 : i32
      %dma_wait3A_148 = tpu.memref_slice %arg13[%dma_wait3A_146, %dma_wait3A_147] : memref<10000x128xf32, #tpu.memory_space<vmem_shared>> -> memref<10000x128xf32, #tpu.memory_space<vmem_shared>>
      tpu.wait_indirect_dma semaphore(%run_scoped3A : memref<!tpu.dma_semaphore, #tpu.memory_space<semaphore_mem>>) src(%arg9 : memref<80x128xf32, #tpu.memory_space<vmem>>) dst(%dma_wait3A_148 : memref<10000x128xf32, #tpu.memory_space<vmem_shared>>)
      tpu.yield
    }) : () -> ()
    %scan3A_62 = arith.constant 0 : i32
    %scan3A_63 = arith.constant 0 : i32
    %scan3A_64 = arith.constant 40 : i32
    %scan3A_65 = arith.addi %scan3A_63, %scan3A_64 : i32
    %scan3A_66 = arith.constant 1 : i32
    scf.for %scan3A_143 = %scan3A_63 to %scan3A_65 step %scan3A_66  : i32 {
      %mul3A_144 = arith.constant 3 : i32
      %mul3A_145 = arith.muli %mul3A_144, %scan3A_143 : i32
      %add3A_146 = arith.constant 1 : i32
      %add3A_147 = arith.addi %mul3A_145, %add3A_146 : i32
      %add3A_148 = arith.constant 0 : i32
      %add3A_149 = arith.addi %add3A_147, %add3A_148 : i32
      %add3A_150 = arith.constant 2 : i32
      %add3A_151 = arith.addi %add3A_149, %add3A_150 : i32
      %mul3A_152 = arith.constant 80 : i32
      %mul3A_153 = arith.muli %add3A_151, %mul3A_152 : i32
      %dma_start3A_154 = tpu.memref_slice %arg5[%mul3A_153] : memref<10000xi32, #tpu.memory_space<vmem>> -> memref<80xi32, #tpu.memory_space<vmem>>
      %dma_start3A_155 = arith.constant 0 : i32
      %dma_start3A_156 = arith.constant 0 : i32
      %dma_start3A_157 = tpu.memref_slice %arg2[%dma_start3A_155, %dma_start3A_156] : memref<10000x128xf32, #tpu.memory_space<hbm>> -> memref<10000x128xf32, #tpu.memory_space<hbm>>
      tpu.enqueue_indirect_dma source(%dma_start3A_157 : memref<10000x128xf32, #tpu.memory_space<hbm>>) target(%arg9 : memref<80x128xf32, #tpu.memory_space<vmem>>) offsets(%dma_start3A_154 : memref<80xi32, #tpu.memory_space<vmem>>) semaphore(%arg14 : memref<!tpu.dma_semaphore, #tpu.memory_space<semaphore_mem>>)
      %add3A_158 = arith.constant 1 : i32
      %add3A_159 = arith.addi %add3A_149, %add3A_158 : i32
      %add3A_160 = arith.constant 320000 : i32
      %add3A_161 = arith.addi %add3A_160, %mul3A_2 : i32
      %mul3A_162 = arith.constant 80 : i32
      %mul3A_163 = arith.muli %add3A_159, %mul3A_162 : i32
      %add3A_164 = arith.addi %add3A_161, %mul3A_163 : i32
      %dma_start3A_165 = tpu.memref_slice %arg3[%add3A_164] : memref<640000xi32, #tpu.memory_space<hbm>> -> memref<80xi32, #tpu.memory_space<hbm>>
      %dma_start3A_166 = tpu.memref_slice %arg3[%add3A_164] : memref<640000xi32, #tpu.memory_space<hbm>> -> memref<80xi32, #tpu.memory_space<hbm>>
      tpu.enqueue_dma source(%dma_start3A_166 : memref<80xi32, #tpu.memory_space<hbm>>) target(%arg8 : memref<80xi32, #tpu.memory_space<vmem>>) target_semaphore(%arg19 : memref<!tpu.dma_semaphore, #tpu.memory_space<semaphore_mem>>)
      %dma_wait3A_167 = arith.constant 0 : i32
      %dma_wait3A_168 = arith.constant 0 : i32
      %dma_wait3A_169 = tpu.memref_slice %arg2[%dma_wait3A_167, %dma_wait3A_168] : memref<10000x128xf32, #tpu.memory_space<hbm>> -> memref<80x128xf32, #tpu.memory_space<hbm>>
      %dma_wait3A_170 = arith.constant 0 : i32
      %dma_wait3A_171 = arith.constant 0 : i32
      %dma_wait3A_172 = tpu.memref_slice %arg2[%dma_wait3A_170, %dma_wait3A_171] : memref<10000x128xf32, #tpu.memory_space<hbm>> -> memref<80x128xf32, #tpu.memory_space<hbm>>
      tpu.wait_dma2 semaphore(%arg15 : memref<!tpu.dma_semaphore, #tpu.memory_space<semaphore_mem>>) src(%dma_wait3A_172 : memref<80x128xf32, #tpu.memory_space<hbm>>) dst(%arg10 : memref<80x128xf32, #tpu.memory_space<vmem>>)
      %dma_wait3A_173 = arith.constant 0 : i32
      %dma_wait3A_174 = tpu.memref_slice %arg3[%dma_wait3A_173] : memref<640000xi32, #tpu.memory_space<hbm>> -> memref<80xi32, #tpu.memory_space<hbm>>
      %dma_wait3A_175 = arith.constant 0 : i32
      %dma_wait3A_176 = tpu.memref_slice %arg3[%dma_wait3A_175] : memref<640000xi32, #tpu.memory_space<hbm>> -> memref<80xi32, #tpu.memory_space<hbm>>
      tpu.wait_dma2 semaphore(%arg18 : memref<!tpu.dma_semaphore, #tpu.memory_space<semaphore_mem>>) src(%dma_wait3A_176 : memref<80xi32, #tpu.memory_space<hbm>>) dst(%arg7 : memref<80xi32, #tpu.memory_space<vmem>>)
      "tpu.region"() ({
        %run_scoped3A = tpu.sem_alloc : memref<!tpu.dma_semaphore, #tpu.memory_space<semaphore_mem>>
        %dma_start3A_235 = arith.constant 0 : i32
        %dma_start3A_236 = arith.constant 0 : i32
        %dma_start3A_237 = tpu.memref_slice %arg13[%dma_start3A_235, %dma_start3A_236] : memref<10000x128xf32, #tpu.memory_space<vmem_shared>> -> memref<10000x128xf32, #tpu.memory_space<vmem_shared>>
        tpu.enqueue_indirect_dma source(%arg10 : memref<80x128xf32, #tpu.memory_space<vmem>>) target(%dma_start3A_237 : memref<10000x128xf32, #tpu.memory_space<vmem_shared>>) offsets(%arg7 : memref<80xi32, #tpu.memory_space<vmem>>) semaphore(%run_scoped3A : memref<!tpu.dma_semaphore, #tpu.memory_space<semaphore_mem>>) {add = true}
        %dma_wait3A_238 = arith.constant 0 : i32
        %dma_wait3A_239 = arith.constant 0 : i32
        %dma_wait3A_240 = tpu.memref_slice %arg13[%dma_wait3A_238, %dma_wait3A_239] : memref<10000x128xf32, #tpu.memory_space<vmem_shared>> -> memref<10000x128xf32, #tpu.memory_space<vmem_shared>>
        tpu.wait_indirect_dma semaphore(%run_scoped3A : memref<!tpu.dma_semaphore, #tpu.memory_space<semaphore_mem>>) src(%arg10 : memref<80x128xf32, #tpu.memory_space<vmem>>) dst(%dma_wait3A_240 : memref<10000x128xf32, #tpu.memory_space<vmem_shared>>)
        tpu.yield
      }) : () -> ()
      %add3A_177 = arith.constant 1 : i32
      %add3A_178 = arith.addi %add3A_147, %add3A_177 : i32
      %add3A_179 = arith.constant 2 : i32
      %add3A_180 = arith.addi %add3A_178, %add3A_179 : i32
      %mul3A_181 = arith.constant 80 : i32
      %mul3A_182 = arith.muli %add3A_180, %mul3A_181 : i32
      %dma_start3A_183 = tpu.memref_slice %arg5[%mul3A_182] : memref<10000xi32, #tpu.memory_space<vmem>> -> memref<80xi32, #tpu.memory_space<vmem>>
      %dma_start3A_184 = arith.constant 0 : i32
      %dma_start3A_185 = arith.constant 0 : i32
      %dma_start3A_186 = tpu.memref_slice %arg2[%dma_start3A_184, %dma_start3A_185] : memref<10000x128xf32, #tpu.memory_space<hbm>> -> memref<10000x128xf32, #tpu.memory_space<hbm>>
      tpu.enqueue_indirect_dma source(%dma_start3A_186 : memref<10000x128xf32, #tpu.memory_space<hbm>>) target(%arg10 : memref<80x128xf32, #tpu.memory_space<vmem>>) offsets(%dma_start3A_183 : memref<80xi32, #tpu.memory_space<vmem>>) semaphore(%arg15 : memref<!tpu.dma_semaphore, #tpu.memory_space<semaphore_mem>>)
      %add3A_187 = arith.constant 1 : i32
      %add3A_188 = arith.addi %add3A_178, %add3A_187 : i32
      %add3A_189 = arith.constant 320000 : i32
      %add3A_190 = arith.addi %add3A_189, %mul3A_2 : i32
      %mul3A_191 = arith.constant 80 : i32
      %mul3A_192 = arith.muli %add3A_188, %mul3A_191 : i32
      %add3A_193 = arith.addi %add3A_190, %mul3A_192 : i32
      %dma_start3A_194 = tpu.memref_slice %arg3[%add3A_193] : memref<640000xi32, #tpu.memory_space<hbm>> -> memref<80xi32, #tpu.memory_space<hbm>>
      %dma_start3A_195 = tpu.memref_slice %arg3[%add3A_193] : memref<640000xi32, #tpu.memory_space<hbm>> -> memref<80xi32, #tpu.memory_space<hbm>>
      tpu.enqueue_dma source(%dma_start3A_195 : memref<80xi32, #tpu.memory_space<hbm>>) target(%arg6 : memref<80xi32, #tpu.memory_space<vmem>>) target_semaphore(%arg17 : memref<!tpu.dma_semaphore, #tpu.memory_space<semaphore_mem>>)
      %dma_wait3A_196 = arith.constant 0 : i32
      %dma_wait3A_197 = arith.constant 0 : i32
      %dma_wait3A_198 = tpu.memref_slice %arg2[%dma_wait3A_196, %dma_wait3A_197] : memref<10000x128xf32, #tpu.memory_space<hbm>> -> memref<80x128xf32, #tpu.memory_space<hbm>>
      %dma_wait3A_199 = arith.constant 0 : i32
      %dma_wait3A_200 = arith.constant 0 : i32
      %dma_wait3A_201 = tpu.memref_slice %arg2[%dma_wait3A_199, %dma_wait3A_200] : memref<10000x128xf32, #tpu.memory_space<hbm>> -> memref<80x128xf32, #tpu.memory_space<hbm>>
      tpu.wait_dma2 semaphore(%arg16 : memref<!tpu.dma_semaphore, #tpu.memory_space<semaphore_mem>>) src(%dma_wait3A_201 : memref<80x128xf32, #tpu.memory_space<hbm>>) dst(%arg11 : memref<80x128xf32, #tpu.memory_space<vmem>>)
      %dma_wait3A_202 = arith.constant 0 : i32
      %dma_wait3A_203 = tpu.memref_slice %arg3[%dma_wait3A_202] : memref<640000xi32, #tpu.memory_space<hbm>> -> memref<80xi32, #tpu.memory_space<hbm>>
      %dma_wait3A_204 = arith.constant 0 : i32
      %dma_wait3A_205 = tpu.memref_slice %arg3[%dma_wait3A_204] : memref<640000xi32, #tpu.memory_space<hbm>> -> memref<80xi32, #tpu.memory_space<hbm>>
      tpu.wait_dma2 semaphore(%arg19 : memref<!tpu.dma_semaphore, #tpu.memory_space<semaphore_mem>>) src(%dma_wait3A_205 : memref<80xi32, #tpu.memory_space<hbm>>) dst(%arg8 : memref<80xi32, #tpu.memory_space<vmem>>)
      "tpu.region"() ({
        %run_scoped3A = tpu.sem_alloc : memref<!tpu.dma_semaphore, #tpu.memory_space<semaphore_mem>>
        %dma_start3A_235 = arith.constant 0 : i32
        %dma_start3A_236 = arith.constant 0 : i32
        %dma_start3A_237 = tpu.memref_slice %arg13[%dma_start3A_235, %dma_start3A_236] : memref<10000x128xf32, #tpu.memory_space<vmem_shared>> -> memref<10000x128xf32, #tpu.memory_space<vmem_shared>>
        tpu.enqueue_indirect_dma source(%arg11 : memref<80x128xf32, #tpu.memory_space<vmem>>) target(%dma_start3A_237 : memref<10000x128xf32, #tpu.memory_space<vmem_shared>>) offsets(%arg8 : memref<80xi32, #tpu.memory_space<vmem>>) semaphore(%run_scoped3A : memref<!tpu.dma_semaphore, #tpu.memory_space<semaphore_mem>>) {add = true}
        %dma_wait3A_238 = arith.constant 0 : i32
        %dma_wait3A_239 = arith.constant 0 : i32
        %dma_wait3A_240 = tpu.memref_slice %arg13[%dma_wait3A_238, %dma_wait3A_239] : memref<10000x128xf32, #tpu.memory_space<vmem_shared>> -> memref<10000x128xf32, #tpu.memory_space<vmem_shared>>
        tpu.wait_indirect_dma semaphore(%run_scoped3A : memref<!tpu.dma_semaphore, #tpu.memory_space<semaphore_mem>>) src(%arg11 : memref<80x128xf32, #tpu.memory_space<vmem>>) dst(%dma_wait3A_240 : memref<10000x128xf32, #tpu.memory_space<vmem_shared>>)
        tpu.yield
      }) : () -> ()
      %add3A_206 = arith.constant 2 : i32
      %add3A_207 = arith.addi %add3A_147, %add3A_206 : i32
      %add3A_208 = arith.constant 2 : i32
      %add3A_209 = arith.addi %add3A_207, %add3A_208 : i32
      %mul3A_210 = arith.constant 80 : i32
      %mul3A_211 = arith.muli %add3A_209, %mul3A_210 : i32
      %dma_start3A_212 = tpu.memref_slice %arg5[%mul3A_211] : memref<10000xi32, #tpu.memory_space<vmem>> -> memref<80xi32, #tpu.memory_space<vmem>>
      %dma_start3A_213 = arith.constant 0 : i32
      %dma_start3A_214 = arith.constant 0 : i32
      %dma_start3A_215 = tpu.memref_slice %arg2[%dma_start3A_213, %dma_start3A_214] : memref<10000x128xf32, #tpu.memory_space<hbm>> -> memref<10000x128xf32, #tpu.memory_space<hbm>>
      tpu.enqueue_indirect_dma source(%dma_start3A_215 : memref<10000x128xf32, #tpu.memory_space<hbm>>) target(%arg11 : memref<80x128xf32, #tpu.memory_space<vmem>>) offsets(%dma_start3A_212 : memref<80xi32, #tpu.memory_space<vmem>>) semaphore(%arg16 : memref<!tpu.dma_semaphore, #tpu.memory_space<semaphore_mem>>)
      %add3A_216 = arith.constant 1 : i32
      %add3A_217 = arith.addi %add3A_207, %add3A_216 : i32
      %add3A_218 = arith.constant 320000 : i32
      %add3A_219 = arith.addi %add3A_218, %mul3A_2 : i32
      %mul3A_220 = arith.constant 80 : i32
      %mul3A_221 = arith.muli %add3A_217, %mul3A_220 : i32
      %add3A_222 = arith.addi %add3A_219, %mul3A_221 : i32
      %dma_start3A_223 = tpu.memref_slice %arg3[%add3A_222] : memref<640000xi32, #tpu.memory_space<hbm>> -> memref<80xi32, #tpu.memory_space<hbm>>
      %dma_start3A_224 = tpu.memref_slice %arg3[%add3A_222] : memref<640000xi32, #tpu.memory_space<hbm>> -> memref<80xi32, #tpu.memory_space<hbm>>
      tpu.enqueue_dma source(%dma_start3A_224 : memref<80xi32, #tpu.memory_space<hbm>>) target(%arg7 : memref<80xi32, #tpu.memory_space<vmem>>) target_semaphore(%arg18 : memref<!tpu.dma_semaphore, #tpu.memory_space<semaphore_mem>>)
      %dma_wait3A_225 = arith.constant 0 : i32
      %dma_wait3A_226 = arith.constant 0 : i32
      %dma_wait3A_227 = tpu.memref_slice %arg2[%dma_wait3A_225, %dma_wait3A_226] : memref<10000x128xf32, #tpu.memory_space<hbm>> -> memref<80x128xf32, #tpu.memory_space<hbm>>
      %dma_wait3A_228 = arith.constant 0 : i32
      %dma_wait3A_229 = arith.constant 0 : i32
      %dma_wait3A_230 = tpu.memref_slice %arg2[%dma_wait3A_228, %dma_wait3A_229] : memref<10000x128xf32, #tpu.memory_space<hbm>> -> memref<80x128xf32, #tpu.memory_space<hbm>>
      tpu.wait_dma2 semaphore(%arg14 : memref<!tpu.dma_semaphore, #tpu.memory_space<semaphore_mem>>) src(%dma_wait3A_230 : memref<80x128xf32, #tpu.memory_space<hbm>>) dst(%arg9 : memref<80x128xf32, #tpu.memory_space<vmem>>)
      %dma_wait3A_231 = arith.constant 0 : i32
      %dma_wait3A_232 = tpu.memref_slice %arg3[%dma_wait3A_231] : memref<640000xi32, #tpu.memory_space<hbm>> -> memref<80xi32, #tpu.memory_space<hbm>>
      %dma_wait3A_233 = arith.constant 0 : i32
      %dma_wait3A_234 = tpu.memref_slice %arg3[%dma_wait3A_233] : memref<640000xi32, #tpu.memory_space<hbm>> -> memref<80xi32, #tpu.memory_space<hbm>>
      tpu.wait_dma2 semaphore(%arg17 : memref<!tpu.dma_semaphore, #tpu.memory_space<semaphore_mem>>) src(%dma_wait3A_234 : memref<80xi32, #tpu.memory_space<hbm>>) dst(%arg6 : memref<80xi32, #tpu.memory_space<vmem>>)
      "tpu.region"() ({
        %run_scoped3A = tpu.sem_alloc : memref<!tpu.dma_semaphore, #tpu.memory_space<semaphore_mem>>
        %dma_start3A_235 = arith.constant 0 : i32
        %dma_start3A_236 = arith.constant 0 : i32
        %dma_start3A_237 = tpu.memref_slice %arg13[%dma_start3A_235, %dma_start3A_236] : memref<10000x128xf32, #tpu.memory_space<vmem_shared>> -> memref<10000x128xf32, #tpu.memory_space<vmem_shared>>
        tpu.enqueue_indirect_dma source(%arg9 : memref<80x128xf32, #tpu.memory_space<vmem>>) target(%dma_start3A_237 : memref<10000x128xf32, #tpu.memory_space<vmem_shared>>) offsets(%arg6 : memref<80xi32, #tpu.memory_space<vmem>>) semaphore(%run_scoped3A : memref<!tpu.dma_semaphore, #tpu.memory_space<semaphore_mem>>) {add = true}
        %dma_wait3A_238 = arith.constant 0 : i32
        %dma_wait3A_239 = arith.constant 0 : i32
        %dma_wait3A_240 = tpu.memref_slice %arg13[%dma_wait3A_238, %dma_wait3A_239] : memref<10000x128xf32, #tpu.memory_space<vmem_shared>> -> memref<10000x128xf32, #tpu.memory_space<vmem_shared>>
        tpu.wait_indirect_dma semaphore(%run_scoped3A : memref<!tpu.dma_semaphore, #tpu.memory_space<semaphore_mem>>) src(%arg9 : memref<80x128xf32, #tpu.memory_space<vmem>>) dst(%dma_wait3A_240 : memref<10000x128xf32, #tpu.memory_space<vmem_shared>>)
        tpu.yield
      }) : () -> ()
    }
    %scan3A_67 = arith.constant 40 : i32
    %dma_start3A_68 = arith.constant 9840 : i32
    %dma_start3A_69 = tpu.memref_slice %arg5[%dma_start3A_68] : memref<10000xi32, #tpu.memory_space<vmem>> -> memref<80xi32, #tpu.memory_space<vmem>>
    %dma_start3A_70 = arith.constant 0 : i32
    %dma_start3A_71 = arith.constant 0 : i32
    %dma_start3A_72 = tpu.memref_slice %arg2[%dma_start3A_70, %dma_start3A_71] : memref<10000x128xf32, #tpu.memory_space<hbm>> -> memref<10000x128xf32, #tpu.memory_space<hbm>>
    tpu.enqueue_indirect_dma source(%dma_start3A_72 : memref<10000x128xf32, #tpu.memory_space<hbm>>) target(%arg9 : memref<80x128xf32, #tpu.memory_space<vmem>>) offsets(%dma_start3A_69 : memref<80xi32, #tpu.memory_space<vmem>>) semaphore(%arg14 : memref<!tpu.dma_semaphore, #tpu.memory_space<semaphore_mem>>)
    %add3A_73 = arith.constant 320000 : i32
    %add3A_74 = arith.addi %add3A_73, %mul3A_2 : i32
    %add3A_75 = arith.constant 9760 : i32
    %add3A_76 = arith.addi %add3A_74, %add3A_75 : i32
    %dma_start3A_77 = tpu.memref_slice %arg3[%add3A_76] : memref<640000xi32, #tpu.memory_space<hbm>> -> memref<80xi32, #tpu.memory_space<hbm>>
    %dma_start3A_78 = tpu.memref_slice %arg3[%add3A_76] : memref<640000xi32, #tpu.memory_space<hbm>> -> memref<80xi32, #tpu.memory_space<hbm>>
    tpu.enqueue_dma source(%dma_start3A_78 : memref<80xi32, #tpu.memory_space<hbm>>) target(%arg8 : memref<80xi32, #tpu.memory_space<vmem>>) target_semaphore(%arg19 : memref<!tpu.dma_semaphore, #tpu.memory_space<semaphore_mem>>)
    %dma_wait3A_79 = arith.constant 0 : i32
    %dma_wait3A_80 = arith.constant 0 : i32
    %dma_wait3A_81 = tpu.memref_slice %arg2[%dma_wait3A_79, %dma_wait3A_80] : memref<10000x128xf32, #tpu.memory_space<hbm>> -> memref<80x128xf32, #tpu.memory_space<hbm>>
    %dma_wait3A_82 = arith.constant 0 : i32
    %dma_wait3A_83 = arith.constant 0 : i32
    %dma_wait3A_84 = tpu.memref_slice %arg2[%dma_wait3A_82, %dma_wait3A_83] : memref<10000x128xf32, #tpu.memory_space<hbm>> -> memref<80x128xf32, #tpu.memory_space<hbm>>
    tpu.wait_dma2 semaphore(%arg15 : memref<!tpu.dma_semaphore, #tpu.memory_space<semaphore_mem>>) src(%dma_wait3A_84 : memref<80x128xf32, #tpu.memory_space<hbm>>) dst(%arg10 : memref<80x128xf32, #tpu.memory_space<vmem>>)
    %dma_wait3A_85 = arith.constant 0 : i32
    %dma_wait3A_86 = tpu.memref_slice %arg3[%dma_wait3A_85] : memref<640000xi32, #tpu.memory_space<hbm>> -> memref<80xi32, #tpu.memory_space<hbm>>
    %dma_wait3A_87 = arith.constant 0 : i32
    %dma_wait3A_88 = tpu.memref_slice %arg3[%dma_wait3A_87] : memref<640000xi32, #tpu.memory_space<hbm>> -> memref<80xi32, #tpu.memory_space<hbm>>
    tpu.wait_dma2 semaphore(%arg18 : memref<!tpu.dma_semaphore, #tpu.memory_space<semaphore_mem>>) src(%dma_wait3A_88 : memref<80xi32, #tpu.memory_space<hbm>>) dst(%arg7 : memref<80xi32, #tpu.memory_space<vmem>>)
    "tpu.region"() ({
      %run_scoped3A = tpu.sem_alloc : memref<!tpu.dma_semaphore, #tpu.memory_space<semaphore_mem>>
      %dma_start3A_143 = arith.constant 0 : i32
      %dma_start3A_144 = arith.constant 0 : i32
      %dma_start3A_145 = tpu.memref_slice %arg13[%dma_start3A_143, %dma_start3A_144] : memref<10000x128xf32, #tpu.memory_space<vmem_shared>> -> memref<10000x128xf32, #tpu.memory_space<vmem_shared>>
      tpu.enqueue_indirect_dma source(%arg10 : memref<80x128xf32, #tpu.memory_space<vmem>>) target(%dma_start3A_145 : memref<10000x128xf32, #tpu.memory_space<vmem_shared>>) offsets(%arg7 : memref<80xi32, #tpu.memory_space<vmem>>) semaphore(%run_scoped3A : memref<!tpu.dma_semaphore, #tpu.memory_space<semaphore_mem>>) {add = true}
      %dma_wait3A_146 = arith.constant 0 : i32
      %dma_wait3A_147 = arith.constant 0 : i32
      %dma_wait3A_148 = tpu.memref_slice %arg13[%dma_wait3A_146, %dma_wait3A_147] : memref<10000x128xf32, #tpu.memory_space<vmem_shared>> -> memref<10000x128xf32, #tpu.memory_space<vmem_shared>>
      tpu.wait_indirect_dma semaphore(%run_scoped3A : memref<!tpu.dma_semaphore, #tpu.memory_space<semaphore_mem>>) src(%arg10 : memref<80x128xf32, #tpu.memory_space<vmem>>) dst(%dma_wait3A_148 : memref<10000x128xf32, #tpu.memory_space<vmem_shared>>)
      tpu.yield
    }) : () -> ()
    %dma_start3A_89 = arith.constant 9920 : i32
    %dma_start3A_90 = tpu.memref_slice %arg5[%dma_start3A_89] : memref<10000xi32, #tpu.memory_space<vmem>> -> memref<80xi32, #tpu.memory_space<vmem>>
    %dma_start3A_91 = arith.constant 0 : i32
    %dma_start3A_92 = arith.constant 0 : i32
    %dma_start3A_93 = tpu.memref_slice %arg2[%dma_start3A_91, %dma_start3A_92] : memref<10000x128xf32, #tpu.memory_space<hbm>> -> memref<10000x128xf32, #tpu.memory_space<hbm>>
    tpu.enqueue_indirect_dma source(%dma_start3A_93 : memref<10000x128xf32, #tpu.memory_space<hbm>>) target(%arg10 : memref<80x128xf32, #tpu.memory_space<vmem>>) offsets(%dma_start3A_90 : memref<80xi32, #tpu.memory_space<vmem>>) semaphore(%arg15 : memref<!tpu.dma_semaphore, #tpu.memory_space<semaphore_mem>>)
    %add3A_94 = arith.constant 320000 : i32
    %add3A_95 = arith.addi %add3A_94, %mul3A_2 : i32
    %add3A_96 = arith.constant 9840 : i32
    %add3A_97 = arith.addi %add3A_95, %add3A_96 : i32
    %dma_start3A_98 = tpu.memref_slice %arg3[%add3A_97] : memref<640000xi32, #tpu.memory_space<hbm>> -> memref<80xi32, #tpu.memory_space<hbm>>
    %dma_start3A_99 = tpu.memref_slice %arg3[%add3A_97] : memref<640000xi32, #tpu.memory_space<hbm>> -> memref<80xi32, #tpu.memory_space<hbm>>
    tpu.enqueue_dma source(%dma_start3A_99 : memref<80xi32, #tpu.memory_space<hbm>>) target(%arg6 : memref<80xi32, #tpu.memory_space<vmem>>) target_semaphore(%arg17 : memref<!tpu.dma_semaphore, #tpu.memory_space<semaphore_mem>>)
    %dma_wait3A_100 = arith.constant 0 : i32
    %dma_wait3A_101 = arith.constant 0 : i32
    %dma_wait3A_102 = tpu.memref_slice %arg2[%dma_wait3A_100, %dma_wait3A_101] : memref<10000x128xf32, #tpu.memory_space<hbm>> -> memref<80x128xf32, #tpu.memory_space<hbm>>
    %dma_wait3A_103 = arith.constant 0 : i32
    %dma_wait3A_104 = arith.constant 0 : i32
    %dma_wait3A_105 = tpu.memref_slice %arg2[%dma_wait3A_103, %dma_wait3A_104] : memref<10000x128xf32, #tpu.memory_space<hbm>> -> memref<80x128xf32, #tpu.memory_space<hbm>>
    tpu.wait_dma2 semaphore(%arg16 : memref<!tpu.dma_semaphore, #tpu.memory_space<semaphore_mem>>) src(%dma_wait3A_105 : memref<80x128xf32, #tpu.memory_space<hbm>>) dst(%arg11 : memref<80x128xf32, #tpu.memory_space<vmem>>)
    %dma_wait3A_106 = arith.constant 0 : i32
    %dma_wait3A_107 = tpu.memref_slice %arg3[%dma_wait3A_106] : memref<640000xi32, #tpu.memory_space<hbm>> -> memref<80xi32, #tpu.memory_space<hbm>>
    %dma_wait3A_108 = arith.constant 0 : i32
    %dma_wait3A_109 = tpu.memref_slice %arg3[%dma_wait3A_108] : memref<640000xi32, #tpu.memory_space<hbm>> -> memref<80xi32, #tpu.memory_space<hbm>>
    tpu.wait_dma2 semaphore(%arg19 : memref<!tpu.dma_semaphore, #tpu.memory_space<semaphore_mem>>) src(%dma_wait3A_109 : memref<80xi32, #tpu.memory_space<hbm>>) dst(%arg8 : memref<80xi32, #tpu.memory_space<vmem>>)
    "tpu.region"() ({
      %run_scoped3A = tpu.sem_alloc : memref<!tpu.dma_semaphore, #tpu.memory_space<semaphore_mem>>
      %dma_start3A_143 = arith.constant 0 : i32
      %dma_start3A_144 = arith.constant 0 : i32
      %dma_start3A_145 = tpu.memref_slice %arg13[%dma_start3A_143, %dma_start3A_144] : memref<10000x128xf32, #tpu.memory_space<vmem_shared>> -> memref<10000x128xf32, #tpu.memory_space<vmem_shared>>
      tpu.enqueue_indirect_dma source(%arg11 : memref<80x128xf32, #tpu.memory_space<vmem>>) target(%dma_start3A_145 : memref<10000x128xf32, #tpu.memory_space<vmem_shared>>) offsets(%arg8 : memref<80xi32, #tpu.memory_space<vmem>>) semaphore(%run_scoped3A : memref<!tpu.dma_semaphore, #tpu.memory_space<semaphore_mem>>) {add = true}
      %dma_wait3A_146 = arith.constant 0 : i32
      %dma_wait3A_147 = arith.constant 0 : i32
      %dma_wait3A_148 = tpu.memref_slice %arg13[%dma_wait3A_146, %dma_wait3A_147] : memref<10000x128xf32, #tpu.memory_space<vmem_shared>> -> memref<10000x128xf32, #tpu.memory_space<vmem_shared>>
      tpu.wait_indirect_dma semaphore(%run_scoped3A : memref<!tpu.dma_semaphore, #tpu.memory_space<semaphore_mem>>) src(%arg11 : memref<80x128xf32, #tpu.memory_space<vmem>>) dst(%dma_wait3A_148 : memref<10000x128xf32, #tpu.memory_space<vmem_shared>>)
      tpu.yield
    }) : () -> ()
    %add3A_110 = arith.constant 320000 : i32
    %add3A_111 = arith.addi %add3A_110, %mul3A_2 : i32
    %add3A_112 = arith.constant 9920 : i32
    %add3A_113 = arith.addi %add3A_111, %add3A_112 : i32
    %dma_start3A_114 = tpu.memref_slice %arg3[%add3A_113] : memref<640000xi32, #tpu.memory_space<hbm>> -> memref<80xi32, #tpu.memory_space<hbm>>
    %dma_start3A_115 = tpu.memref_slice %arg3[%add3A_113] : memref<640000xi32, #tpu.memory_space<hbm>> -> memref<80xi32, #tpu.memory_space<hbm>>
    tpu.enqueue_dma source(%dma_start3A_115 : memref<80xi32, #tpu.memory_space<hbm>>) target(%arg7 : memref<80xi32, #tpu.memory_space<vmem>>) target_semaphore(%arg18 : memref<!tpu.dma_semaphore, #tpu.memory_space<semaphore_mem>>)
    %dma_wait3A_116 = arith.constant 0 : i32
    %dma_wait3A_117 = arith.constant 0 : i32
    %dma_wait3A_118 = tpu.memref_slice %arg2[%dma_wait3A_116, %dma_wait3A_117] : memref<10000x128xf32, #tpu.memory_space<hbm>> -> memref<80x128xf32, #tpu.memory_space<hbm>>
    %dma_wait3A_119 = arith.constant 0 : i32
    %dma_wait3A_120 = arith.constant 0 : i32
    %dma_wait3A_121 = tpu.memref_slice %arg2[%dma_wait3A_119, %dma_wait3A_120] : memref<10000x128xf32, #tpu.memory_space<hbm>> -> memref<80x128xf32, #tpu.memory_space<hbm>>
    tpu.wait_dma2 semaphore(%arg14 : memref<!tpu.dma_semaphore, #tpu.memory_space<semaphore_mem>>) src(%dma_wait3A_121 : memref<80x128xf32, #tpu.memory_space<hbm>>) dst(%arg9 : memref<80x128xf32, #tpu.memory_space<vmem>>)
    %dma_wait3A_122 = arith.constant 0 : i32
    %dma_wait3A_123 = tpu.memref_slice %arg3[%dma_wait3A_122] : memref<640000xi32, #tpu.memory_space<hbm>> -> memref<80xi32, #tpu.memory_space<hbm>>
    %dma_wait3A_124 = arith.constant 0 : i32
    %dma_wait3A_125 = tpu.memref_slice %arg3[%dma_wait3A_124] : memref<640000xi32, #tpu.memory_space<hbm>> -> memref<80xi32, #tpu.memory_space<hbm>>
    tpu.wait_dma2 semaphore(%arg17 : memref<!tpu.dma_semaphore, #tpu.memory_space<semaphore_mem>>) src(%dma_wait3A_125 : memref<80xi32, #tpu.memory_space<hbm>>) dst(%arg6 : memref<80xi32, #tpu.memory_space<vmem>>)
    "tpu.region"() ({
      %run_scoped3A = tpu.sem_alloc : memref<!tpu.dma_semaphore, #tpu.memory_space<semaphore_mem>>
      %dma_start3A_143 = arith.constant 0 : i32
      %dma_start3A_144 = arith.constant 0 : i32
      %dma_start3A_145 = tpu.memref_slice %arg13[%dma_start3A_143, %dma_start3A_144] : memref<10000x128xf32, #tpu.memory_space<vmem_shared>> -> memref<10000x128xf32, #tpu.memory_space<vmem_shared>>
      tpu.enqueue_indirect_dma source(%arg9 : memref<80x128xf32, #tpu.memory_space<vmem>>) target(%dma_start3A_145 : memref<10000x128xf32, #tpu.memory_space<vmem_shared>>) offsets(%arg6 : memref<80xi32, #tpu.memory_space<vmem>>) semaphore(%run_scoped3A : memref<!tpu.dma_semaphore, #tpu.memory_space<semaphore_mem>>) {add = true}
      %dma_wait3A_146 = arith.constant 0 : i32
      %dma_wait3A_147 = arith.constant 0 : i32
      %dma_wait3A_148 = tpu.memref_slice %arg13[%dma_wait3A_146, %dma_wait3A_147] : memref<10000x128xf32, #tpu.memory_space<vmem_shared>> -> memref<10000x128xf32, #tpu.memory_space<vmem_shared>>
      tpu.wait_indirect_dma semaphore(%run_scoped3A : memref<!tpu.dma_semaphore, #tpu.memory_space<semaphore_mem>>) src(%arg9 : memref<80x128xf32, #tpu.memory_space<vmem>>) dst(%dma_wait3A_148 : memref<10000x128xf32, #tpu.memory_space<vmem_shared>>)
      tpu.yield
    }) : () -> ()
    %dma_wait3A_126 = arith.constant 0 : i32
    %dma_wait3A_127 = arith.constant 0 : i32
    %dma_wait3A_128 = tpu.memref_slice %arg2[%dma_wait3A_126, %dma_wait3A_127] : memref<10000x128xf32, #tpu.memory_space<hbm>> -> memref<80x128xf32, #tpu.memory_space<hbm>>
    %dma_wait3A_129 = arith.constant 0 : i32
    %dma_wait3A_130 = arith.constant 0 : i32
    %dma_wait3A_131 = tpu.memref_slice %arg2[%dma_wait3A_129, %dma_wait3A_130] : memref<10000x128xf32, #tpu.memory_space<hbm>> -> memref<80x128xf32, #tpu.memory_space<hbm>>
    tpu.wait_dma2 semaphore(%arg15 : memref<!tpu.dma_semaphore, #tpu.memory_space<semaphore_mem>>) src(%dma_wait3A_131 : memref<80x128xf32, #tpu.memory_space<hbm>>) dst(%arg10 : memref<80x128xf32, #tpu.memory_space<vmem>>)
    %dma_wait3A_132 = arith.constant 0 : i32
    %dma_wait3A_133 = tpu.memref_slice %arg3[%dma_wait3A_132] : memref<640000xi32, #tpu.memory_space<hbm>> -> memref<80xi32, #tpu.memory_space<hbm>>
    %dma_wait3A_134 = arith.constant 0 : i32
    %dma_wait3A_135 = tpu.memref_slice %arg3[%dma_wait3A_134] : memref<640000xi32, #tpu.memory_space<hbm>> -> memref<80xi32, #tpu.memory_space<hbm>>
    tpu.wait_dma2 semaphore(%arg18 : memref<!tpu.dma_semaphore, #tpu.memory_space<semaphore_mem>>) src(%dma_wait3A_135 : memref<80xi32, #tpu.memory_space<hbm>>) dst(%arg7 : memref<80xi32, #tpu.memory_space<vmem>>)
    "tpu.region"() ({
      %run_scoped3A = tpu.sem_alloc : memref<!tpu.dma_semaphore, #tpu.memory_space<semaphore_mem>>
      %dma_start3A_143 = arith.constant 0 : i32
      %dma_start3A_144 = arith.constant 0 : i32
      %dma_start3A_145 = tpu.memref_slice %arg13[%dma_start3A_143, %dma_start3A_144] : memref<10000x128xf32, #tpu.memory_space<vmem_shared>> -> memref<10000x128xf32, #tpu.memory_space<vmem_shared>>
      tpu.enqueue_indirect_dma source(%arg10 : memref<80x128xf32, #tpu.memory_space<vmem>>) target(%dma_start3A_145 : memref<10000x128xf32, #tpu.memory_space<vmem_shared>>) offsets(%arg7 : memref<80xi32, #tpu.memory_space<vmem>>) semaphore(%run_scoped3A : memref<!tpu.dma_semaphore, #tpu.memory_space<semaphore_mem>>) {add = true}
      %dma_wait3A_146 = arith.constant 0 : i32
      %dma_wait3A_147 = arith.constant 0 : i32
      %dma_wait3A_148 = tpu.memref_slice %arg13[%dma_wait3A_146, %dma_wait3A_147] : memref<10000x128xf32, #tpu.memory_space<vmem_shared>> -> memref<10000x128xf32, #tpu.memory_space<vmem_shared>>
      tpu.wait_indirect_dma semaphore(%run_scoped3A : memref<!tpu.dma_semaphore, #tpu.memory_space<semaphore_mem>>) src(%arg10 : memref<80x128xf32, #tpu.memory_space<vmem>>) dst(%dma_wait3A_148 : memref<10000x128xf32, #tpu.memory_space<vmem_shared>>)
      tpu.yield
    }) : () -> ()
    %barrier3A_136 = arith.constant 0 : index
    tpu.barrier barrier_id(%barrier3A_136)
    %mul3A_137 = arith.constant 624 : i32
    %mul3A_138 = arith.muli %arg1, %mul3A_137 : i32
    %mul3A_139 = arith.constant 624 : i32
    %mul3A_140 = arith.muli %arg1, %mul3A_139 : i32
    "tpu.region"() ({
      %run_scoped3A = tpu.sem_alloc : memref<!tpu.dma_semaphore, #tpu.memory_space<semaphore_mem>>
      %dma_start3A_143 = arith.constant 0 : i32
      %dma_start3A_144 = tpu.memref_slice %arg4[%arg0, %mul3A_140, %dma_start3A_143] : memref<2x10000x128xf32, #tpu.memory_space<hbm>> -> memref<1x624x128xf32, #tpu.memory_space<hbm>>
      %dma_start3A_145 = tpu.memref_squeeze %dma_start3A_144 : memref<1x624x128xf32, #tpu.memory_space<hbm>> -> memref<624x128xf32, #tpu.memory_space<hbm>>
      %dma_start3A_146 = arith.constant 0 : i32
      %dma_start3A_147 = tpu.memref_slice %arg13[%mul3A_138, %dma_start3A_146] : memref<10000x128xf32, #tpu.memory_space<vmem_shared>> -> memref<624x128xf32, #tpu.memory_space<vmem_shared>>
      tpu.enqueue_dma source(%dma_start3A_147 : memref<624x128xf32, #tpu.memory_space<vmem_shared>>) target(%dma_start3A_145 : memref<624x128xf32, #tpu.memory_space<hbm>>) target_semaphore(%run_scoped3A : memref<!tpu.dma_semaphore, #tpu.memory_space<semaphore_mem>>)
      %dma_wait3A_148 = arith.constant 0 : i32
      %dma_wait3A_149 = tpu.memref_slice %arg4[%arg0, %mul3A_140, %dma_wait3A_148] : memref<2x10000x128xf32, #tpu.memory_space<hbm>> -> memref<1x624x128xf32, #tpu.memory_space<hbm>>
      %dma_wait3A_150 = tpu.memref_squeeze %dma_wait3A_149 : memref<1x624x128xf32, #tpu.memory_space<hbm>> -> memref<624x128xf32, #tpu.memory_space<hbm>>
      %dma_wait3A_151 = arith.constant 0 : i32
      %dma_wait3A_152 = tpu.memref_slice %arg13[%mul3A_138, %dma_wait3A_151] : memref<10000x128xf32, #tpu.memory_space<vmem_shared>> -> memref<624x128xf32, #tpu.memory_space<vmem_shared>>
      tpu.wait_dma2 semaphore(%run_scoped3A : memref<!tpu.dma_semaphore, #tpu.memory_space<semaphore_mem>>) src(%dma_wait3A_152 : memref<624x128xf32, #tpu.memory_space<vmem_shared>>) dst(%dma_wait3A_150 : memref<624x128xf32, #tpu.memory_space<hbm>>)
      tpu.yield
    }) : () -> ()
    %eq3A = arith.constant 15 : i32
    %eq3A_141 = arith.cmpi eq, %arg1, %eq3A : i32
    %convert_element_type3A = arith.extui %eq3A_141 : i1 to i32
    %cond3A = arith.constant 0 : i32
    %cond3A_142 = arith.cmpi ne, %convert_element_type3A, %cond3A : i32
    scf.if %cond3A_142 {
      "tpu.region"() ({
        %run_scoped3A = tpu.sem_alloc : memref<!tpu.dma_semaphore, #tpu.memory_space<semaphore_mem>>
        %dma_start3A_143 = arith.constant 9984 : i32
        %dma_start3A_144 = arith.constant 0 : i32
        %dma_start3A_145 = tpu.memref_slice %arg4[%arg0, %dma_start3A_143, %dma_start3A_144] : memref<2x10000x128xf32, #tpu.memory_space<hbm>> -> memref<1x16x128xf32, #tpu.memory_space<hbm>>
        %dma_start3A_146 = tpu.memref_squeeze %dma_start3A_145 : memref<1x16x128xf32, #tpu.memory_space<hbm>> -> memref<16x128xf32, #tpu.memory_space<hbm>>
        %dma_start3A_147 = arith.constant 9984 : i32
        %dma_start3A_148 = arith.constant 0 : i32
        %dma_start3A_149 = tpu.memref_slice %arg13[%dma_start3A_147, %dma_start3A_148] : memref<10000x128xf32, #tpu.memory_space<vmem_shared>> -> memref<16x128xf32, #tpu.memory_space<vmem_shared>>
        tpu.enqueue_dma source(%dma_start3A_149 : memref<16x128xf32, #tpu.memory_space<vmem_shared>>) target(%dma_start3A_146 : memref<16x128xf32, #tpu.memory_space<hbm>>) target_semaphore(%run_scoped3A : memref<!tpu.dma_semaphore, #tpu.memory_space<semaphore_mem>>)
        %dma_wait3A_150 = arith.constant 9984 : i32
        %dma_wait3A_151 = arith.constant 0 : i32
        %dma_wait3A_152 = tpu.memref_slice %arg4[%arg0, %dma_wait3A_150, %dma_wait3A_151] : memref<2x10000x128xf32, #tpu.memory_space<hbm>> -> memref<1x16x128xf32, #tpu.memory_space<hbm>>
        %dma_wait3A_153 = tpu.memref_squeeze %dma_wait3A_152 : memref<1x16x128xf32, #tpu.memory_space<hbm>> -> memref<16x128xf32, #tpu.memory_space<hbm>>
        %dma_wait3A_154 = arith.constant 9984 : i32
        %dma_wait3A_155 = arith.constant 0 : i32
        %dma_wait3A_156 = tpu.memref_slice %arg13[%dma_wait3A_154, %dma_wait3A_155] : memref<10000x128xf32, #tpu.memory_space<vmem_shared>> -> memref<16x128xf32, #tpu.memory_space<vmem_shared>>
        tpu.wait_dma2 semaphore(%run_scoped3A : memref<!tpu.dma_semaphore, #tpu.memory_space<semaphore_mem>>) src(%dma_wait3A_156 : memref<16x128xf32, #tpu.memory_space<vmem_shared>>) dst(%dma_wait3A_153 : memref<16x128xf32, #tpu.memory_space<hbm>>)
        tpu.yield
      }) : () -> ()
    } else {
    }
    return
  }
}

module attributes {stable_mosaic.version = 14 : i64} {
  func.func @_mm_body(%arg0: i32, %arg1: memref<2x2000x128xf32, #tpu.memory_space<vmem>>, %arg2: memref<128x128xf32, #tpu.memory_space<vmem>>, %arg3: memref<2000x128xf32, #tpu.memory_space<vmem>>) attributes {dimension_semantics = [#tpu.dimension_semantics<arbitrary>], iteration_bounds = array<i64: 5>, scalar_prefetch = 0 : i64, scratch_operands = 0 : i64, tpu.core_type = #tpu.core_type<tc>, window_params = [{transform_indices = @transform_0, window_bounds = array<i64: 2, 2000, 128>}, {pipeline_mode = #tpu.pipeline_mode<synchronous>, transform_indices = @transform_1, window_bounds = array<i64: 128, 128>}, {transform_indices = @transform_2, window_bounds = array<i64: 2000, 128>}]} {
    %get3A = arith.constant 0 : index
    %get3A_0 = arith.constant 0 : index
    %get3A_1 = arith.constant 0 : index
    %get3A_2 = vector.load %arg1[%get3A, %get3A_0, %get3A_1] : memref<2x2000x128xf32, #tpu.memory_space<vmem>>, vector<1x2000x128xf32>
    %get3A_3 = vector.shape_cast %get3A_2 : vector<1x2000x128xf32> to vector<2000x128xf32>
    %get3A_4 = arith.constant 1 : index
    %get3A_5 = arith.constant 0 : index
    %get3A_6 = arith.constant 0 : index
    %get3A_7 = vector.load %arg1[%get3A_4, %get3A_5, %get3A_6] : memref<2x2000x128xf32, #tpu.memory_space<vmem>>, vector<1x2000x128xf32>
    %get3A_8 = vector.shape_cast %get3A_7 : vector<1x2000x128xf32> to vector<2000x128xf32>
    %add3A = arith.addf %get3A_3, %get3A_8 : vector<2000x128xf32>
    %get3A_9 = arith.constant 0 : index
    %get3A_10 = arith.constant 0 : index
    %get3A_11 = vector.load %arg2[%get3A_9, %get3A_10] : memref<128x128xf32, #tpu.memory_space<vmem>>, vector<128x128xf32>
    %dot_general3A = arith.constant dense<0.000000e+00> : vector<2000x128xf32>
    %dot_general3A_12 = tpu.matmul %add3A, %get3A_11, %dot_general3A {dimension_numbers = #tpu.dot_dimension_numbers<[1], [0], [0], [1], [0, 0, 1, 1], [], []>, transpose_lhs_hint = false} : vector<2000x128xf32>, vector<128x128xf32>, vector<2000x128xf32> -> vector<2000x128xf32>
    %swap3A = arith.constant 0 : index
    %swap3A_13 = arith.constant 0 : index
    %swap3A_14 = vector.load %arg3[%swap3A, %swap3A_13] : memref<2000x128xf32, #tpu.memory_space<vmem>>, vector<2000x128xf32>
    tpu.vector_store %arg3[%swap3A, %swap3A_13], %dot_general3A_12 {strides = array<i32>} : memref<2000x128xf32, #tpu.memory_space<vmem>>, vector<2000x128xf32>,
    return
  }
  func.func @transform_0(%arg0: i32) -> (i32, i32, i32) {
    %c0_i32 = arith.constant 0 : i32
    %c0_i32_0 = arith.constant 0 : i32
    %c0_i32_1 = arith.constant 0 : i32
    return %c0_i32, %arg0, %c0_i32_0 : i32, i32, i32
  }
  func.func @transform_1(%arg0: i32) -> (i32, i32) {
    %c0_i32 = arith.constant 0 : i32
    %c0_i32_0 = arith.constant 0 : i32
    %c0_i32_1 = arith.constant 0 : i32
    return %c0_i32, %c0_i32_0 : i32, i32
  }
  func.func @transform_2(%arg0: i32) -> (i32, i32) {
    %c0_i32 = arith.constant 0 : i32
    %c0_i32_0 = arith.constant 0 : i32
    return %arg0, %c0_i32 : i32, i32
  }
}

</mosaic_0001>

<sc_bundles>
// kernel: _run.4.cloned.1.call-start
scs
__scs_entry_jumppad:
0x0: {  	(pc) =	sbr.rel $0x88, $3  }
0x1: {  	(tag) =	ssettag $0x0;
	lr =	simm.s32 $0x1  }
0x2: {  	[smem:$0x3F9E] =	sst lr;
	_ =	strace $0xD0000000  }
0x3: {  	_ = 	snop  }
0x4: {  	_ = 	snop  }
0x5: {  	_ = 	snop  }
0x6: {  	_ = 	snop  }
0x7: {  	_ = 	snop  }
__scs_overlays_trampoline_lowered:
0x8: {  	[smem:$0x3FAD] =	sst s0  }
0x9: {  	[smem:$0x3FAE] =	sst s1  }
0xa: {  	[smem:$0x3FAF] =	sst s2  }
0xb: {  	[smem:$0x3FB0] =	sst s3  }
0xc: {  	[smem:$0x3FB1] =	sst s4  }
0xd: {  	[smem:$0x3FB2] =	sst s5  }
0xe: {  	[smem:$0x3FB3] =	sst s6  }
0xf: {  	[smem:$0x3FB4] =	sst s7  }
0x10: {  	[smem:$0x3FB5] =	sst s8  }
0x11: {  	[smem:$0x3FB6] =	sst s9;
	s0 =	simm.s32 @!p0 $0x0  }
0x12: {  	s1 =	sld [smem:$0x3F9C];
	s0 =	simm.s32 @p0 $0x1  }
0x13: {  	[smem:$0x3FB7] =	sst s0;
	s0 =	simm.s32 @!p1 $0x0  }
0x14: {  	s2 =	sld [smem:$0x3F9B];
	s0 =	simm.s32 @p1 $0x1  }
0x15: {  	[smem:$0x3FB8] =	sst s0;
	s0 =	simm.s32 @!p2 $0x0  }
0x16: {  	s3 =	sld [smem:$0x3FDB];
	s0 =	simm.s32 @p2 $0x1  }
0x17: {  	s4 =	simm.s32 $0x1BF5;
	[smem:$0x3FBA] =	sst s0  }
0x18: {  	s0 =	sld [smem:$0x3F9D];
	_ =	swait.ge [sflag:s4], $0x0  }
0x19: {  	s7 =	sld [smem:$0x3F9E]  }
0x1a: {  	s8 =	sadd.s32 $0xFFFFE003, lr  }
0x1b: {  	s9 =	sadd.s32 $0xFFFFFEF7, lr;
	s5 =	simm.s32 $0xFFFFFFFF;
	p2 =	slt.u32 s8, $0xFFFFF086  }
0x1c: {  	p1 =	slt.u32 s9, $0xF7A;
	s5 =	simm.s32 @!p2 $0x0  }
0x1d: {  	s5 =	simm.s32 @p1 $0x1;
	p0 =	seq.s32 s7, s2  }
0x1e: {  	s7 =	smul.u32 @!p0 $0xF7A, s2;
	p2 =	seq.s32 @!p0 s5, $0x0  }
0x1f: {  	s9 =	smul.u32 $0xF7A, s1;
	s8 =	simm.s32 @!p0 $0x1BF5;
	p2 =	por !p2, p0  }
0x20: {  	[sflag:s8] =	ssyncset.s32 @!p0 $0xFFFFF086;
	s6 =	sadd.s32 @!p0 s3, s7;
	s7 =	simm.s32 @!p0 $0x108  }
0x21: {  	s3 =	sadd.s32 s3, s9;
	s6 =	sadd.s32 @!p0 $0x88, s6;
	s7 =	simm.s32 @p2 $0x1082  }
0x22: {  	[simem:s7], [sflag:s8] =	dma.local @!p0 [hbm:s6], $0xF7A  }
0x23: {  	s9 =	sor.u32 $0xD0000000, s2;
	s6 =	simm.s32 $0x108;
	_ =	swait.ge @!p0 [sflag:s8], $0x0  }
0x24: {  	s3 =	sadd.s32 $0x88, s3;
	s6 =	simm.s32 @!p1 $0x1082;
	[sflag:s4] =	ssyncset.s32 $0xFFFFF086  }
0x25: {  	[simem:s6], [sflag:s4] =	dma.local [hbm:s3], $0xF7A  }
0x26: {  	[smem:$0x3F9E] =	sst s1;
	(tag) =	ssettag s2;
	_ =	strace s9  }
0x27: {  	s1 =	sld [smem:$0x3FAE]  }
0x28: {  	s2 =	sld [smem:$0x3FAF]  }
0x29: {  	s4 =	sld [smem:$0x3FB1]  }
0x2a: {  	p0 =	seq.s32 s5, $0x0;
	s5 =	sld [smem:$0x3FB2]  }
0x2b: {  	s6 =	sld [smem:$0x3FB3]  }
0x2c: {  	s7 =	sld [smem:$0x3FB4]  }
0x2d: {  	s3 =	simm.s32 $0x108;
	s8 =	sld [smem:$0x3FB5]  }
0x2e: {  	s3 =	simm.s32 @!p0 $0x1082;
	s9 =	sld [smem:$0x3FB6]  }
0x2f: {  	lr =	sadd.s32 s0, s3;
	s0 =	sld [smem:$0x3FAD]  }
0x30: {  	s3 =	sld [smem:$0x3FB0]  }
0x31: {  	[smem:$0x3FB9] =	sst s10  }
0x32: {  	s10 =	sld [smem:$0x3FB7];
	_ =	sdelay $0x3  }
0x33: {  	p0 =	seq.s32 s10, $0x1;
	s10 =	sld [smem:$0x3FB9];
	_ =	sdelay $0x3  }
0x34: {  	[smem:$0x3FB9] =	sst s10  }
0x35: {  	s10 =	sld [smem:$0x3FB8];
	_ =	sdelay $0x3  }
0x36: {  	p1 =	seq.s32 s10, $0x1;
	s10 =	sld [smem:$0x3FB9];
	_ =	sdelay $0x3  }
0x37: {  	[smem:$0x3FB9] =	sst s10  }
0x38: {  	s10 =	sld [smem:$0x3FBA]  }
0x39: {  	_ = 	snop;
	(pc) =	sbr.ind lr, $3  }
0x3a: {  	_ = 	snop  }
0x3b: {  	_ = 	snop  }
0x3c: {  	p2 =	seq.s32 s10, $0x1;
	s10 =	sld [smem:$0x3FB9]  }
0x3d: {  	_ =	shalt  }
0x3e: {  	_ =	shalt  }
0x3f: {  	_ =	shalt  }
0x40: {  	_ =	shalt  }
0x41: {  	_ =	shalt  }
0x42: {  	_ =	shalt  }
0x43: {  	_ =	shalt  }
0x44: {  	_ =	shalt  }
0x45: {  	_ =	shalt  }
0x46: {  	_ =	shalt  }
0x47: {  	_ =	shalt  }
0x48: {  	_ =	shalt  }
0x49: {  	_ =	shalt  }
0x4a: {  	_ =	shalt  }
0x4b: {  	_ =	shalt  }
0x4c: {  	_ =	shalt  }
0x4d: {  	_ =	shalt  }
0x4e: {  	_ =	shalt  }
0x4f: {  	_ =	shalt  }
0x50: {  	_ =	shalt  }
0x51: {  	_ =	shalt  }
0x52: {  	_ =	shalt  }
0x53: {  	_ =	shalt  }
0x54: {  	_ =	shalt  }
0x55: {  	_ =	shalt  }
0x56: {  	_ =	shalt  }
0x57: {  	_ =	shalt  }
0x58: {  	_ =	shalt  }
0x59: {  	_ =	shalt  }
0x5a: {  	_ =	shalt  }
0x5b: {  	_ =	shalt  }
0x5c: {  	_ =	shalt  }
0x5d: {  	_ =	shalt  }
0x5e: {  	_ =	shalt  }
0x5f: {  	_ =	shalt  }
0x60: {  	_ =	shalt  }
0x61: {  	_ =	shalt  }
0x62: {  	_ =	shalt  }
0x63: {  	_ =	shalt  }
0x64: {  	_ =	shalt  }
0x65: {  	_ =	shalt  }
0x66: {  	_ =	shalt  }
0x67: {  	_ =	shalt  }
0x68: {  	_ =	shalt  }
0x69: {  	_ =	shalt  }
0x6a: {  	_ =	shalt  }
0x6b: {  	_ =	shalt  }
0x6c: {  	_ =	shalt  }
0x6d: {  	_ =	shalt  }
0x6e: {  	_ =	shalt  }
0x6f: {  	_ =	shalt  }
0x70: {  	_ =	shalt  }
0x71: {  	_ =	shalt  }
0x72: {  	_ =	shalt  }
0x73: {  	_ =	shalt  }
0x74: {  	_ =	shalt  }
0x75: {  	_ =	shalt  }
0x76: {  	_ =	shalt  }
0x77: {  	_ =	shalt  }
0x78: {  	_ =	shalt  }
0x79: {  	_ =	shalt  }
0x7a: {  	_ =	shalt  }
0x7b: {  	_ =	shalt  }
0x7c: {  	_ =	shalt  }
0x7d: {  	_ =	shalt  }
0x7e: {  	_ =	shalt  }
0x7f: {  	_ =	shalt  }
0x80: {  	_ =	shalt  }
0x81: {  	_ =	shalt  }
0x82: {  	_ =	shalt  }
0x83: {  	_ =	shalt  }
0x84: {  	_ =	shalt  }
0x85: {  	_ =	shalt  }
0x86: {  	_ =	shalt  }
0x87: {  	_ =	shalt  }
.Lfunc_end0:
.L_simem_size_0:
called_computation_lowered:
.L_overlay_start_0:
0x88: {  	s2 =	sld [smem:$0x3FD9]  }
0x89: {  	s3 =	sld [smem:$0x3FFE];
	_ =	sdelay $0x1  }
0x8a: {  	s1 =	srdreg.scid  }
0x8b: {  	s0 =	sand.u32 $0x1, s1  }
0x8c: {  	s17 =	sshll.u32 s0, $0xA;
	s2 =	sadd.s32 s3, s2  }
0x8d: {  	s2 =	sadd.s32 s2, s17  }
0x8e: {  	[smem:$0x3FC5] =	sst s2  }
0x8f: {  	_ = 	snop  }
0x90: {  	s2 =	sld [smem:$0x3FC9]  }
0x91: {  	s18 =	sld [smem:$0x3FD0];
	(tm) =	ssettm $0x1  }
0x92: {  	s4 =	sld [smem:$0x3FFB];
	_ =	sdelay $0x3  }
0x93: {  	_ =	strace s4  }
0x94: {  	s4 =	sld [smem:$0x3FFC];
	_ =	sdelay $0x3  }
0x95: {  	_ =	strace s4  }
0x96: {  	s4 =	sld [smem:$0x3FFD];
	_ =	sdelay $0x3  }
0x97: {  	_ =	strace s4  }
0x98: {  	_ =	strace $0x8FFFFFFF  }
0x99: {  	s19 =	sld [smem:$0x3FDB];
	_ =	sdelay $0x1  }
0x9a: {  	s5 =	simm.s32 $_scs_section_size  }
0x9b: {  	s6 =	simm.s32 $_size__tile_overlayer_lowered;
	s7 =	simm.s32 $_tile_overlayer_lowered  }
0x9c: {  	s22 =	simm.s32 $0x1BFF;
	s21 =	sshll.u32 s7, $0x1;
	s4 =	sadd.s32 s5, s19  }
0x9d: {  	s8 =	simm.s32 $0x0;
	s20 =	sshll.u32 s6, $0x1;
	s6 =	sadd.s32 s21, s4  }
0x9e: {  	[timem:s8], [sflag:s22] =	dma.local [hbm:s6], s20  }
0x9f: {  	_ =	swait.ge [sflag:s22], s20  }
0xa0: {  	s5 =	ssub.s32 $0x0, s20;
	[sflag:s22] =	ssyncset.done $0x0  }
0xa1: {  	[sflag:s22] =	ssyncadd.s32 s5;
	_ =	sdelay $0x1  }
0xa2: {  	s23 =	simm.s32 $0x1B8B  }
0xa3: {  	_ =	swait.ge [sflag:s23], $0x1  }
0xa4: {  	[sflag:s23] =	ssyncset.done $0x0  }
0xa5: {  	s25 =	simm.s32 $0x1B8E;
	s24 =	sld [smem:$0x3FFE];
	[sflag:s23] =	ssyncadd.s32 $0xFFFFFFFF  }
0xa6: {  	s26 =	simm.s32 $execute0_lowered;
	[smem:$0x3FD2] =	sst s25  }
0xa7: {  	s6 =	sshll.u32 s26, $0x1;
	_ =	strace $0x80000046;
	[dreg:$0x1] =	wrdreg $0xFFFFFFFF  }
0xa8: {  	s28 =	simm.s32 $_size_execute0_lowered;
	s4 =	sadd.s32 s4, s6;
	[dreg:$0x0] =	wrdreg $0x0  }
0xa9: {  	s6 =	sshll.u32 s28, $0x1;
	[dreg:$0x2] =	wrdreg s4  }
0xaa: {  	[dreg:$0x3] =	wrdreg s6  }
0xab: {  	[dreg:$0x4] =	wrdreg $0xC0  }
0xac: {  	_ =	task [dreg:s8], $0x5FFFF  }
0xad: {  	[dreg:$0x1] =	wrdreg $0xFFFFFFFF  }
0xae: {  	[dreg:$0x0] =	wrdreg $0x60  }
0xaf: {  	[dreg:$0x2] =	wrdreg s2  }
0xb0: {  	[dreg:$0x3] =	wrdreg s18  }
0xb1: {  	[dreg:$0x4] =	wrdreg s24  }
0xb2: {  	[dreg:$0x5] =	wrdreg $0xB1000  }
0xb3: {  	[dreg:$0x6] =	wrdreg $0x9  }
0xb4: {  	_ =	task.clear_ibuf [dreg:s8], $0x7FFFF;
	_ =	strace $0x90000046  }
0xb5: {  	s29 =	simm.s32 $0x9;
	_ =	strace $0x80000048  }
0xb6: {  	_ =	swait.ge [sflag:s29], $0x1  }
0xb7: {  	[sflag:s29] =	ssyncadd.s32 $0xFFFFFFFF  }
0xb8: {  	_ =	strace $0x90000048  }
0xb9: {  	_ =	sfence  }
0xba: {  	s30 =	sld [smem:$0x0];
	_ =	sdelay $0x2  }
0xbb: {  	s31 =	sshll.u32 s1, $0xD;
	s1 =	sshrl.u32 s1, $0x2  }
0xbc: {  	s3 =	sand.u32 $0x4000, s31;
	s1 =	sadd.s32 s1, s30  }
0xbd: {  	s0 =	sor.u32 s3, s0;
	s1 =	sshll.u32 s1, $0x11  }
0xbe: {  	s0 =	sor.u32 s1, s0  }
0xbf: {  	s0 =	sadd.s32 $0x8F2B, s0  }
0xc0: {  	[sflag:s0] =	ssyncadd.remote.s32 $0x1  }
0xc1: {  	_ =	sfence.sel $0xFFFF  }
0xc2: {  	[dreg:$0x0] =	wrdreg $0xFFFFFFFF;
	(pc) =	sbr.abs _section_cstart, $3  }
0xc3: {  	[dreg:$0x1] =	wrdreg $0xFFFFFFFF  }
0xc4: {  	_ =	task.clear_ibuf [dreg:s8], $0x2FFFF;
	_ =	strace $0x9FFFFFFF  }
0xc5: {  	(tm) =	ssettm $0x7FFFFFFF  }
tec
execute0_lowered:
.L_overlay_start_1:
0x0: {  	(tag) =	ssettag $0x1  }
0x1: {  	s1 =	rddreg [dreg:$0x0]  }
0x2: {  	s0 =	rddreg [dreg:$0x1]  }
0x3: {  	s2 =	rddreg [dreg:$0x2];
	s4 =	srdreg.scid  }
0x4: {  	s10 =	stileid.u32;
	s3 =	rddreg [dreg:$0x3];
	s5 =	sand.u32 $0x1, s4  }
0x5: {  	s13 =	sshll.u32 s10, $0x1;
	s4 =	simm.s32 $0x0;
	s9 =	smul.u32 $0x4E000, s10  }
0x6: {  	s2 =	sadd.s32 $0x800, s2;
	s16 =	smul.u32 $0x13800, s10;
	s6 =	sor.u32 s5, s13  }
0x7: {  	s7 =	ssub.s32 $0x2, s5;
	[smem:$0x7FF] =	sst s4;
	s15 =	smul.u32 $0x138800, s5  }
0x8: {  	s6 =	smul.u32 $0x2710, s6;
	s8 =	sshrl.u32 s7, $0x1;
	_ =	strace $0x80000047  }
0x9: {  	s14 =	sshrl.u32 s9, $0x2;
	s7 =	ssub.s32 s7, s8;
	s8 =	sadd.s32 s16, s15  }
0xa: {  	s9 =	sshrl.u32 s15, $0x3;
	s6 =	sshrl.u32 s6, $0x3;
	s7 =	smax.u32 s7, $0x1  }
0xb: {  	s8 =	sshrl.u32 s8, $0x3;
	s11 =	sadd.s32 s0, s6;
	[dreg:$0xd] =	wrdreg s7  }
0xc: {  	s9 =	sadd.s32 s2, s9;
	s2 =	sadd.s32 s2, s8;
	[dreg:$0x5] =	wrdreg s11  }
0xd: {  	s20 =	sadd.s32 $0x27000, s9;
	[dreg:$0xb] =	wrdreg s2  }
0xe: {  	s12 =	sadd.s32 $0x9C40, s11;
	[dreg:$0xc] =	wrdreg s20  }
0xf: {  	s17 =	sadd.s32 $0x9C4A, s11;
	[dreg:$0x6] =	wrdreg s12  }
0x10: {  	s18 =	sadd.s32 $0xA104, s11;
	[dreg:$0x7] =	wrdreg s17  }
0x11: {  	s28 =	simm.s32 $0x2;
	s19 =	sadd.s32 $0xA10E, s11;
	[dreg:$0x8] =	wrdreg s18  }
0x12: {  	s6 =	sadd.s32 s14, s3;
	s11 =	sadd.s32 $0xA118, s11;
	[dreg:$0x9] =	wrdreg s19  }
0x13: {  	s29 =	simm.s32 $0x5;
	s22 =	sadd.s32 $0x1000, s6;
	[dreg:$0xa] =	wrdreg s11  }
0x14: {  	s30 =	simm.s32 $0x3;
	s23 =	sadd.s32 $0x2000, s6;
	[dreg:$0xe] =	wrdreg s22  }
0x15: {  	s31 =	simm.s32 $0x6;
	s24 =	sadd.s32 $0x3000, s6;
	[dreg:$0xf] =	wrdreg s23  }
0x16: {  	s21 =	smul.u32 $0x4E20, s10;
	s25 =	sadd.s32 $0x4000, s6;
	[dreg:$0x10] =	wrdreg s24  }
0x17: {  	p0 =	sne.s32 s10, $0xF;
	s26 =	sadd.s32 $0x5000, s6;
	[dreg:$0x11] =	wrdreg s25  }
0x18: {  	s5 =	smul.u32 $0x2710, s5;
	s7 =	sadd.s32 $0x6000, s6;
	[dreg:$0x12] =	wrdreg s26  }
0x19: {  	s8 =	sadd.s32 $0x138000, s3;
	s13 =	sadd.s32 $0x8000, s6;
	[dreg:$0x13] =	wrdreg s7  }
0x1a: {  	s2 =	sadd.s32 s5, s21;
	s14 =	sadd.s32 $0x9000, s6;
	[dreg:$0x17] =	wrdreg s13  }
0x1b: {  	s15 =	sadd.s32 $0xA000, s6;
	s16 =	sadd.s32 $0xB000, s6;
	[dreg:$0x18] =	wrdreg s14  }
0x1c: {  	s20 =	sadd.s32 $0xF000, s6;
	s21 =	sadd.s32 $0x10000, s6;
	[dreg:$0x19] =	wrdreg s15  }
0x1d: {  	s9 =	sadd.s32 $0x4E2A0, s2;
	s11 =	sadd.s32 $0x4E340, s2;
	[dreg:$0x1a] =	wrdreg s16  }
0x1e: {  	s2 =	sadd.s32 $0x4E2F0, s2;
	s12 =	sadd.s32 $0x7000, s6;
	[dreg:$0x1e] =	wrdreg s20  }
0x1f: {  	s17 =	sadd.s32 $0xC000, s6;
	s18 =	sadd.s32 $0xD000, s6;
	[dreg:$0x1f] =	wrdreg s21  }
0x20: {  	s19 =	sadd.s32 $0xE000, s6;
	s24 =	sadd.s32 $0x11000, s6;
	[dreg:$0x15] =	wrdreg s12  }
0x21: {  	s25 =	sadd.s32 $0x12000, s6;
	s26 =	sadd.s32 $0x13000, s6;
	[dreg:$0x1b] =	wrdreg s17  }
0x22: {  	s13 =	simm.s32 $0x1;
	s14 =	simm.s32 $0x50;
	[dreg:$0x1c] =	wrdreg s18  }
0x23: {  	s15 =	simm.s32 $0x2900;
	s16 =	simm.s32 $0x2780;
	[dreg:$0x1d] =	wrdreg s19  }
0x24: {  	s20 =	simm.s32 $0x7900;
	s5 =	sshrl.u32 s9, $0x3;
	[smem:$0x7FB] =	sst s24  }
0x25: {  	s7 =	sshrl.u32 s11, $0x3;
	s2 =	sshrl.u32 s2, $0x3;
	[smem:$0x7FC] =	sst s25  }
0x26: {  	[smem:$0x7FD] =	sst s26;
	s12 =	simm.s32 $0xA100;
	s17 =	simm.s32 $0x5100  }
0x27: {  	s18 =	simm.s32 $0x2800;
	s19 =	simm.s32 $0x7;
	s24 =	simm.s32 $0x4  }
0x28: {  	s25 =	simm.s32 $0x8;
	s5 =	sadd.s32 s5, s0;
	s22 =	sadd.s32 s7, s0  }
0x29: {  	s23 =	sadd.s32 s2, s0;
	s0 =	sshrl.u32 @!p0 s8, $0x3;
	[dreg:$0x14] =	wrdreg s5  }
0x2a: {  	v0 =	vimm.f32 $0.0e+00;
	s26 =	simm.s32 $0x2880;
	s2 =	simm.s32 $0x0;
	[dreg:$0x16] =	wrdreg s0  }
.LBB2_1:
0x2b: {  	s0 =	rddreg [dreg:$0x5];
	s21 =	sand.u32 $0x3E00, s4  }
0x2c: {  	[tilespmem:s4], [sflag:$0x1] =	stream.linear.gather [hbm4b:s0+s4], $0x2710, $0x38;
	[tilespmem:$0x1E980] =	vst v63  }
0x2d: {  	s5 =	sand.u32 $0x70, s4;
	s7 =	sshrl.u32 s21, $0x2  }
0x2e: {  	s0 =	simm.s32 $0x40;
	s7 =	sor.u32 s5, s7;
	s5 =	simm.s32 $0x0  }
.LBB2_2:
0x2f: {  	p1 =	sne.s32 s0, $0x3FC0  }
0x30: {  	[tilespmem:s7+$0xA100] =	vst v0;
	s5 =	sadd.s32 $0x10, s5;
	s7 =	smov.u32 s0;
	s0 =	sadd.s32 $0x40, s0  }
.Ltmp0:
0x31: {  	(pc) =	sbr.rel @p1 .LBB2_2-.Ltmp0, $4  }
0x32: {  	_ = 	snop  }
0x33: {  	s7 =	sand.u32 $0x3E00, s7  }
0x34: {  	s8 =	sand.u32 $0x70, s5;
	s7 =	sshrl.u32 s7, $0x2  }
0x35: {  	s7 =	sor.u32 s8, s7  }
0x36: {  	[tilespmem:s7+$0xA100] =	vst v0;
	s0 =	rddreg [dreg:$0xe]  }
0x37: {  	[spmem:s6] =	stream.linear.scatter [tilespmem:s12], [sflag:$0x7], $0x1000, $0x38;
	[tilespmem:$0x1E980] =	vst v63  }
0x38: {  	s7 =	rddreg [dreg:$0xf]  }
0x39: {  	[spmem:s0] =	stream.linear.scatter [tilespmem:s12], [sflag:$0x7], $0x1000, $0x38;
	[tilespmem:$0x1E980] =	vst v63  }
0x3a: {  	s8 =	rddreg [dreg:$0x10]  }
0x3b: {  	[spmem:s7] =	stream.linear.scatter [tilespmem:s12], [sflag:$0x7], $0x1000, $0x38;
	[tilespmem:$0x1E980] =	vst v63  }
0x3c: {  	s9 =	rddreg [dreg:$0x11]  }
0x3d: {  	[spmem:s8] =	stream.linear.scatter [tilespmem:s12], [sflag:$0x7], $0x1000, $0x38;
	[tilespmem:$0x1E980] =	vst v63  }
0x3e: {  	s10 =	rddreg [dreg:$0x12]  }
0x3f: {  	[spmem:s9] =	stream.linear.scatter [tilespmem:s12], [sflag:$0x7], $0x1000, $0x38;
	[tilespmem:$0x1E980] =	vst v63  }
0x40: {  	s11 =	rddreg [dreg:$0x13]  }
0x41: {  	[spmem:s10] =	stream.linear.scatter [tilespmem:s12], [sflag:$0x7], $0x1000, $0x38;
	[tilespmem:$0x1E980] =	vst v63  }
0x42: {  	s21 =	rddreg [dreg:$0x15]  }
0x43: {  	[spmem:s11] =	stream.linear.scatter [tilespmem:s12], [sflag:$0x7], $0x1000, $0x38;
	[tilespmem:$0x1E980] =	vst v63  }
0x44: {  	s5 =	rddreg [dreg:$0x17]  }
0x45: {  	[spmem:s21] =	stream.linear.scatter [tilespmem:s12], [sflag:$0x7], $0x1000, $0x38;
	[tilespmem:$0x1E980] =	vst v63  }
0x46: {  	s7 =	rddreg [dreg:$0x18]  }
0x47: {  	[spmem:s5] =	stream.linear.scatter [tilespmem:s12], [sflag:$0x7], $0x1000, $0x38;
	[tilespmem:$0x1E980] =	vst v63  }
0x48: {  	s8 =	rddreg [dreg:$0x19]  }
0x49: {  	[spmem:s7] =	stream.linear.scatter [tilespmem:s12], [sflag:$0x7], $0x1000, $0x38;
	[tilespmem:$0x1E980] =	vst v63  }
0x4a: {  	s9 =	rddreg [dreg:$0x1a]  }
0x4b: {  	[spmem:s8] =	stream.linear.scatter [tilespmem:s12], [sflag:$0x7], $0x1000, $0x38;
	[tilespmem:$0x1E980] =	vst v63  }
0x4c: {  	s10 =	rddreg [dreg:$0x1b]  }
0x4d: {  	[spmem:s9] =	stream.linear.scatter [tilespmem:s12], [sflag:$0x7], $0x1000, $0x38;
	[tilespmem:$0x1E980] =	vst v63  }
0x4e: {  	s11 =	rddreg [dreg:$0x1c]  }
0x4f: {  	[spmem:s10] =	stream.linear.scatter [tilespmem:s12], [sflag:$0x7], $0x1000, $0x38;
	[tilespmem:$0x1E980] =	vst v63  }
0x50: {  	s21 =	rddreg [dreg:$0x1d]  }
0x51: {  	[spmem:s11] =	stream.linear.scatter [tilespmem:s12], [sflag:$0x7], $0x1000, $0x38;
	[tilespmem:$0x1E980] =	vst v63  }
0x52: {  	s5 =	rddreg [dreg:$0x1e]  }
0x53: {  	[spmem:s21] =	stream.linear.scatter [tilespmem:s12], [sflag:$0x7], $0x1000, $0x38;
	[tilespmem:$0x1E980] =	vst v63  }
0x54: {  	s7 =	rddreg [dreg:$0x1f]  }
0x55: {  	[spmem:s5] =	stream.linear.scatter [tilespmem:s12], [sflag:$0x7], $0x1000, $0x38;
	[tilespmem:$0x1E980] =	vst v63  }
0x56: {  	s8 =	sld [smem:$0x7FB]  }
0x57: {  	[spmem:s7] =	stream.linear.scatter [tilespmem:s12], [sflag:$0x7], $0x1000, $0x38;
	[tilespmem:$0x1E980] =	vst v63  }
0x58: {  	s9 =	sld [smem:$0x7FC]  }
0x59: {  	[spmem:s8] =	stream.linear.scatter [tilespmem:s12], [sflag:$0x7], $0x1000, $0x38;
	[tilespmem:$0x1E980] =	vst v63  }
0x5a: {  	s10 =	sld [smem:$0x7FD]  }
0x5b: {  	[spmem:s9] =	stream.linear.scatter [tilespmem:s12], [sflag:$0x7], $0x1000, $0x38;
	[tilespmem:$0x1E980] =	vst v63  }
0x5c: {  	_ = 	snop  }
0x5d: {  	[spmem:s10] =	stream.linear.scatter [tilespmem:s12], [sflag:$0x7], $0x1000, $0x38;
	[tilespmem:$0x1E980] =	vst v63  }
0x5e: {  	_ =	swait.ge [sflag:s13], $0x2710  }
0x5f: {  	[sflag:s13] =	ssyncset.done $0x0  }
0x60: {  	s11 =	simm.s32 $0x0;
	[sflag:s13] =	ssyncadd.s32 $0xFFFFD8F0  }
0x61: {  	[tilespmem:s15], [sflag:$0x1] =	stream.indirect.gather [hbm4b:s1+s14], $0x80, s11, s14, $0xb8;
	[tilespmem:$0x1E980] =	vst v63  }
0x62: {  	s5 =	rddreg [dreg:$0x6]  }
0x63: {  	[tilespmem:s16], [sflag:$0x4] =	stream.linear.gather [hbm4b:s5+s11], $0x50, $0x38;
	[tilespmem:$0x1E980] =	vst v63  }
0x64: {  	_ = 	snop  }
0x65: {  	[tilespmem:s17], [sflag:$0x2] =	stream.indirect.gather [hbm4b:s1+s14], $0x80, s14, s14, $0xb8;
	[tilespmem:$0x1E980] =	vst v63  }
0x66: {  	s21 =	rddreg [dreg:$0x7]  }
0x67: {  	[tilespmem:s18], [sflag:$0x5] =	stream.linear.gather [hbm4b:s21+s11], $0x50, $0x38;
	[tilespmem:$0x1E980] =	vst v63  }
0x68: {  	_ =	swait.ge [sflag:s19], $0x1000  }
0x69: {  	[sflag:s19] =	ssyncset.done $0x0  }
0x6a: {  	[sflag:s19] =	ssyncadd.s32 $0xFFFFF000  }
0x6b: {  	_ =	swait.ge [sflag:s19], $0x1000  }
0x6c: {  	[sflag:s19] =	ssyncset.done $0x0  }
0x6d: {  	[sflag:s19] =	ssyncadd.s32 $0xFFFFF000  }
0x6e: {  	_ =	swait.ge [sflag:s19], $0x1000  }
0x6f: {  	[sflag:s19] =	ssyncset.done $0x0  }
0x70: {  	[sflag:s19] =	ssyncadd.s32 $0xFFFFF000  }
0x71: {  	_ =	swait.ge [sflag:s19], $0x1000  }
0x72: {  	[sflag:s19] =	ssyncset.done $0x0  }
0x73: {  	[sflag:s19] =	ssyncadd.s32 $0xFFFFF000  }
0x74: {  	_ =	swait.ge [sflag:s19], $0x1000  }
0x75: {  	[sflag:s19] =	ssyncset.done $0x0  }
0x76: {  	[sflag:s19] =	ssyncadd.s32 $0xFFFFF000  }
0x77: {  	_ =	swait.ge [sflag:s19], $0x1000  }
0x78: {  	[sflag:s19] =	ssyncset.done $0x0  }
0x79: {  	[sflag:s19] =	ssyncadd.s32 $0xFFFFF000  }
0x7a: {  	_ =	swait.ge [sflag:s19], $0x1000  }
0x7b: {  	[sflag:s19] =	ssyncset.done $0x0  }
0x7c: {  	[sflag:s19] =	ssyncadd.s32 $0xFFFFF000  }
0x7d: {  	_ =	swait.ge [sflag:s19], $0x1000  }
0x7e: {  	[sflag:s19] =	ssyncset.done $0x0  }
0x7f: {  	[sflag:s19] =	ssyncadd.s32 $0xFFFFF000  }
0x80: {  	_ =	swait.ge [sflag:s19], $0x1000  }
0x81: {  	[sflag:s19] =	ssyncset.done $0x0  }
0x82: {  	[sflag:s19] =	ssyncadd.s32 $0xFFFFF000  }
0x83: {  	_ =	swait.ge [sflag:s19], $0x1000  }
0x84: {  	[sflag:s19] =	ssyncset.done $0x0  }
0x85: {  	[sflag:s19] =	ssyncadd.s32 $0xFFFFF000  }
0x86: {  	_ =	swait.ge [sflag:s19], $0x1000  }
0x87: {  	[sflag:s19] =	ssyncset.done $0x0  }
0x88: {  	[sflag:s19] =	ssyncadd.s32 $0xFFFFF000  }
0x89: {  	_ =	swait.ge [sflag:s19], $0x1000  }
0x8a: {  	[sflag:s19] =	ssyncset.done $0x0  }
0x8b: {  	[sflag:s19] =	ssyncadd.s32 $0xFFFFF000  }
0x8c: {  	_ =	swait.ge [sflag:s19], $0x1000  }
0x8d: {  	[sflag:s19] =	ssyncset.done $0x0  }
0x8e: {  	[sflag:s19] =	ssyncadd.s32 $0xFFFFF000  }
0x8f: {  	_ =	swait.ge [sflag:s19], $0x1000  }
0x90: {  	[sflag:s19] =	ssyncset.done $0x0  }
0x91: {  	[sflag:s19] =	ssyncadd.s32 $0xFFFFF000  }
0x92: {  	_ =	swait.ge [sflag:s19], $0x1000  }
0x93: {  	[sflag:s19] =	ssyncset.done $0x0  }
0x94: {  	[sflag:s19] =	ssyncadd.s32 $0xFFFFF000  }
0x95: {  	_ =	swait.ge [sflag:s19], $0x1000  }
0x96: {  	[sflag:s19] =	ssyncset.done $0x0  }
0x97: {  	[sflag:s19] =	ssyncadd.s32 $0xFFFFF000  }
0x98: {  	_ =	swait.ge [sflag:s19], $0x1000  }
0x99: {  	[sflag:s19] =	ssyncset.done $0x0  }
0x9a: {  	[sflag:s19] =	ssyncadd.s32 $0xFFFFF000  }
0x9b: {  	_ =	swait.ge [sflag:s19], $0x1000  }
0x9c: {  	[sflag:s19] =	ssyncset.done $0x0  }
0x9d: {  	[sflag:s19] =	ssyncadd.s32 $0xFFFFF000  }
0x9e: {  	_ =	swait.ge [sflag:s19], $0x1000  }
0x9f: {  	[sflag:s19] =	ssyncset.done $0x0  }
0xa0: {  	[sflag:s19] =	ssyncadd.s32 $0xFFFFF000  }
0xa1: {  	_ =	swait.ge [sflag:s19], $0x1000  }
0xa2: {  	[sflag:s19] =	ssyncset.done $0x0  }
0xa3: {  	[sflag:s19] =	ssyncadd.s32 $0xFFFFF000  }
0xa4: {  	s7 =	simm.s32 $0xA0;
	[bflag:$0x0] =	sbarrier.arrive $0xFFFF  }
0xa5: {  	[tilespmem:s20], [sflag:$0x3] =	stream.indirect.gather [hbm4b:s1+s14], $0x80, s7, s14, $0xb8;
	[tilespmem:$0x1E980] =	vst v63  }
0xa6: {  	_ =	swait.ge [sflag:s13], $0x2800  }
0xa7: {  	[sflag:s13] =	ssyncset.done $0x0  }
0xa8: {  	[sflag:s13] =	ssyncadd.s32 $0xFFFFD800  }
0xa9: {  	_ =	swait.ge [sflag:s24], $0x50  }
0xaa: {  	[sflag:s24] =	ssyncset.done $0x0  }
0xab: {  	[sflag:s24] =	ssyncadd.s32 $0xFFFFFFB0  }
0xac: {  	[spmem:s3] =	stream.indirect.scatter.add.f32 [tilespmem:s15], [sflag:$0x8], $0x80, s16, s14, $0xb8;
	[tilespmem:$0x1E980] =	vst v63  }
0xad: {  	_ =	swait.ge [sflag:s25], $0x2800  }
0xae: {  	[sflag:s25] =	ssyncset.done $0x0  }
0xaf: {  	s8 =	simm.s32 $0xF0;
	[sflag:s25] =	ssyncadd.s32 $0xFFFFD800  }
0xb0: {  	[tilespmem:s15], [sflag:$0x1] =	stream.indirect.gather [hbm4b:s1+s14], $0x80, s8, s14, $0xb8;
	[tilespmem:$0x1E980] =	vst v63  }
0xb1: {  	s9 =	rddreg [dreg:$0x14]  }
0xb2: {  	[tilespmem:s26], [sflag:$0x6] =	stream.linear.gather [hbm4b:s9+s4], $0x50, $0x38;
	[tilespmem:$0x1E980] =	vst v63  }
0xb3: {  	_ =	swait.ge [sflag:s28], $0x2800  }
0xb4: {  	[sflag:s28] =	ssyncset.done $0x0  }
0xb5: {  	[sflag:s28] =	ssyncadd.s32 $0xFFFFD800  }
0xb6: {  	_ =	swait.ge [sflag:s29], $0x50  }
0xb7: {  	[sflag:s29] =	ssyncset.done $0x0  }
0xb8: {  	[sflag:s29] =	ssyncadd.s32 $0xFFFFFFB0  }
0xb9: {  	[spmem:s3] =	stream.indirect.scatter.add.f32 [tilespmem:s17], [sflag:$0x8], $0x80, s18, s14, $0xb8;
	[tilespmem:$0x1E980] =	vst v63  }
0xba: {  	_ =	swait.ge [sflag:s25], $0x2800  }
0xbb: {  	[sflag:s25] =	ssyncset.done $0x0  }
0xbc: {  	s11 =	simm.s32 $0x140;
	[sflag:s25] =	ssyncadd.s32 $0xFFFFD800  }
0xbd: {  	[tilespmem:s17], [sflag:$0x2] =	stream.indirect.gather [hbm4b:s1+s14], $0x80, s11, s14, $0xb8;
	[tilespmem:$0x1E980] =	vst v63  }
0xbe: {  	_ = 	snop  }
0xbf: {  	[tilespmem:s16], [sflag:$0x4] =	stream.linear.gather [hbm4b:s23+s4], $0x50, $0x38;
	[tilespmem:$0x1E980] =	vst v63  }
0xc0: {  	_ =	swait.ge [sflag:s30], $0x2800  }
0xc1: {  	[sflag:s30] =	ssyncset.done $0x0  }
0xc2: {  	[sflag:s30] =	ssyncadd.s32 $0xFFFFD800  }
0xc3: {  	_ =	swait.ge [sflag:s31], $0x50  }
0xc4: {  	[sflag:s31] =	ssyncset.done $0x0  }
0xc5: {  	[sflag:s31] =	ssyncadd.s32 $0xFFFFFFB0  }
0xc6: {  	[spmem:s3] =	stream.indirect.scatter.add.f32 [tilespmem:s20], [sflag:$0x8], $0x80, s26, s14, $0xb8;
	[tilespmem:$0x1E980] =	vst v63  }
0xc7: {  	_ =	swait.ge [sflag:s25], $0x2800  }
0xc8: {  	[sflag:s25] =	ssyncset.done $0x0  }
0xc9: {  	s21 =	simm.s32 $0x190;
	[sflag:s25] =	ssyncadd.s32 $0xFFFFD800  }
0xca: {  	[tilespmem:s20], [sflag:$0x3] =	stream.indirect.gather [hbm4b:s1+s14], $0x80, s21, s14, $0xb8;
	[tilespmem:$0x1E980] =	vst v63  }
0xcb: {  	_ = 	snop  }
0xcc: {  	[tilespmem:s18], [sflag:$0x5] =	stream.linear.gather [hbm4b:s22+s4], $0x50, $0x38;
	[tilespmem:$0x1E980] =	vst v63  }
0xcd: {  	_ =	swait.ge [sflag:s13], $0x2800  }
0xce: {  	[sflag:s13] =	ssyncset.done $0x0  }
0xcf: {  	[sflag:s13] =	ssyncadd.s32 $0xFFFFD800  }
0xd0: {  	_ =	swait.ge [sflag:s24], $0x50  }
0xd1: {  	[sflag:s24] =	ssyncset.done $0x0  }
0xd2: {  	s0 =	sadd.s32 $0x1E, s22;
	[sflag:s24] =	ssyncadd.s32 $0xFFFFFFB0  }
0xd3: {  	[spmem:s3] =	stream.indirect.scatter.add.f32 [tilespmem:s15], [sflag:$0x8], $0x80, s16, s14, $0xb8;
	[tilespmem:$0x1E980] =	vst v63  }
0xd4: {  	s10 =	simm.s32 $0x780;
	s7 =	sadd.s32 $0x1E, s23;
	_ =	swait.ge [sflag:s25], $0x2800  }
0xd5: {  	s8 =	simm.s32 $0xF0;
	s9 =	sadd.s32 $0x1E, s9;
	[sflag:s25] =	ssyncset.done $0x0  }
.LBB2_4:
0xd6: {  	s21 =	sadd.s32 $0xF0, s8  }
0xd7: {  	[sflag:s25] =	ssyncadd.s32 $0xFFFFD800;
	s11 =	smov.u32 s10;
	s5 =	sadd.s32 $0x3C0, s10  }
0xd8: {  	[tilespmem:s15], [sflag:$0x1] =	stream.indirect.gather [hbm4b:s1+s14], $0x80, s21, s14, $0xb8;
	[tilespmem:$0x1E980] =	vst v63  }
0xd9: {  	p1 =	sne.s32 s10, $0x9240  }
0xda: {  	[tilespmem:s26], [sflag:$0x6] =	stream.linear.gather [hbm4b:s9+s4], $0x50, $0x38;
	[tilespmem:$0x1E980] =	vst v63  }
0xdb: {  	_ =	swait.ge [sflag:s28], $0x2800  }
0xdc: {  	[sflag:s28] =	ssyncset.done $0x0  }
0xdd: {  	[sflag:s28] =	ssyncadd.s32 $0xFFFFD800  }
0xde: {  	_ =	swait.ge [sflag:s29], $0x50  }
0xdf: {  	[sflag:s29] =	ssyncset.done $0x0  }
0xe0: {  	[sflag:s29] =	ssyncadd.s32 $0xFFFFFFB0  }
0xe1: {  	[spmem:s3] =	stream.indirect.scatter.add.f32 [tilespmem:s17], [sflag:$0x8], $0x80, s18, s14, $0xb8;
	[tilespmem:$0x1E980] =	vst v63  }
0xe2: {  	_ =	swait.ge [sflag:s25], $0x2800  }
0xe3: {  	[sflag:s25] =	ssyncset.done $0x0  }
0xe4: {  	s10 =	sadd.s32 $0x140, s8;
	[sflag:s25] =	ssyncadd.s32 $0xFFFFD800  }
0xe5: {  	[tilespmem:s17], [sflag:$0x2] =	stream.indirect.gather [hbm4b:s1+s14], $0x80, s10, s14, $0xb8;
	[tilespmem:$0x1E980] =	vst v63  }
0xe6: {  	_ = 	snop  }
0xe7: {  	[tilespmem:s16], [sflag:$0x4] =	stream.linear.gather [hbm4b:s7+s4], $0x50, $0x38;
	[tilespmem:$0x1E980] =	vst v63  }
0xe8: {  	_ =	swait.ge [sflag:s30], $0x2800  }
0xe9: {  	[sflag:s30] =	ssyncset.done $0x0  }
0xea: {  	[sflag:s30] =	ssyncadd.s32 $0xFFFFD800  }
0xeb: {  	_ =	swait.ge [sflag:s31], $0x50  }
0xec: {  	[sflag:s31] =	ssyncset.done $0x0  }
0xed: {  	[sflag:s31] =	ssyncadd.s32 $0xFFFFFFB0  }
0xee: {  	[spmem:s3] =	stream.indirect.scatter.add.f32 [tilespmem:s20], [sflag:$0x8], $0x80, s26, s14, $0xb8;
	[tilespmem:$0x1E980] =	vst v63  }
0xef: {  	_ =	swait.ge [sflag:s25], $0x2800  }
0xf0: {  	[sflag:s25] =	ssyncset.done $0x0  }
0xf1: {  	s8 =	sadd.s32 $0x190, s8;
	[sflag:s25] =	ssyncadd.s32 $0xFFFFD800  }
0xf2: {  	[tilespmem:s20], [sflag:$0x3] =	stream.indirect.gather [hbm4b:s1+s14], $0x80, s8, s14, $0xb8;
	[tilespmem:$0x1E980] =	vst v63  }
0xf3: {  	_ = 	snop  }
0xf4: {  	[tilespmem:s18], [sflag:$0x5] =	stream.linear.gather [hbm4b:s0+s4], $0x50, $0x38;
	[tilespmem:$0x1E980] =	vst v63  }
0xf5: {  	_ =	swait.ge [sflag:s13], $0x2800  }
0xf6: {  	[sflag:s13] =	ssyncset.done $0x0  }
0xf7: {  	[sflag:s13] =	ssyncadd.s32 $0xFFFFD800  }
0xf8: {  	_ =	swait.ge [sflag:s24], $0x50  }
.Ltmp1:
0xf9: {  	[sflag:s24] =	ssyncset.done $0x0;
	(pc) =	sbr.rel @p1 .LBB2_4-.Ltmp1, $4  }
0xfa: {  	s9 =	sadd.s32 $0x1E, s9;
	[sflag:s24] =	ssyncadd.s32 $0xFFFFFFB0  }
0xfb: {  	[spmem:s3] =	stream.indirect.scatter.add.f32 [tilespmem:s15], [sflag:$0x8], $0x80, s16, s14, $0xb8;
	[tilespmem:$0x1E980] =	vst v63  }
0xfc: {  	s7 =	sadd.s32 $0x1E, s7;
	s0 =	sadd.s32 $0x1E, s0;
	_ =	swait.ge [sflag:s25], $0x2800  }
0xfd: {  	s10 =	smov.u32 s5;
	s8 =	sshra.s32 s11, $0x2;
	[sflag:s25] =	ssyncset.done $0x0  }
0xfe: {  	s5 =	sadd.s32 $0xF0, s8;
	[sflag:s25] =	ssyncadd.s32 $0xFFFFD800  }
0xff: {  	[tilespmem:s15], [sflag:$0x1] =	stream.indirect.gather [hbm4b:s1+s14], $0x80, s5, s14, $0xb8;
	[tilespmem:$0x1E980] =	vst v63  }
0x100: {  	_ = 	snop  }
0x101: {  	[tilespmem:s26], [sflag:$0x6] =	stream.linear.gather [hbm4b:s9+s4], $0x50, $0x38;
	[tilespmem:$0x1E980] =	vst v63  }
0x102: {  	_ =	swait.ge [sflag:s28], $0x2800  }
0x103: {  	[sflag:s28] =	ssyncset.done $0x0  }
0x104: {  	[sflag:s28] =	ssyncadd.s32 $0xFFFFD800  }
0x105: {  	_ =	swait.ge [sflag:s29], $0x50  }
0x106: {  	[sflag:s29] =	ssyncset.done $0x0  }
0x107: {  	[sflag:s29] =	ssyncadd.s32 $0xFFFFFFB0  }
0x108: {  	[spmem:s3] =	stream.indirect.scatter.add.f32 [tilespmem:s17], [sflag:$0x8], $0x80, s18, s14, $0xb8;
	[tilespmem:$0x1E980] =	vst v63  }
0x109: {  	_ =	swait.ge [sflag:s25], $0x2800  }
0x10a: {  	[sflag:s25] =	ssyncset.done $0x0  }
0x10b: {  	s9 =	sadd.s32 $0x140, s8;
	[sflag:s25] =	ssyncadd.s32 $0xFFFFD800  }
0x10c: {  	[tilespmem:s17], [sflag:$0x2] =	stream.indirect.gather [hbm4b:s1+s14], $0x80, s9, s14, $0xb8;
	[tilespmem:$0x1E980] =	vst v63  }
0x10d: {  	_ = 	snop  }
0x10e: {  	[tilespmem:s16], [sflag:$0x4] =	stream.linear.gather [hbm4b:s7+s4], $0x50, $0x38;
	[tilespmem:$0x1E980] =	vst v63  }
0x10f: {  	_ =	swait.ge [sflag:s30], $0x2800  }
0x110: {  	[sflag:s30] =	ssyncset.done $0x0  }
0x111: {  	[sflag:s30] =	ssyncadd.s32 $0xFFFFD800  }
0x112: {  	_ =	swait.ge [sflag:s31], $0x50  }
0x113: {  	[sflag:s31] =	ssyncset.done $0x0  }
0x114: {  	[sflag:s31] =	ssyncadd.s32 $0xFFFFFFB0  }
0x115: {  	[spmem:s3] =	stream.indirect.scatter.add.f32 [tilespmem:s20], [sflag:$0x8], $0x80, s26, s14, $0xb8;
	[tilespmem:$0x1E980] =	vst v63  }
0x116: {  	_ =	swait.ge [sflag:s25], $0x2800  }
0x117: {  	[sflag:s25] =	ssyncset.done $0x0  }
0x118: {  	s10 =	sadd.s32 $0x190, s8;
	[sflag:s25] =	ssyncadd.s32 $0xFFFFD800  }
0x119: {  	[tilespmem:s20], [sflag:$0x3] =	stream.indirect.gather [hbm4b:s1+s14], $0x80, s10, s14, $0xb8;
	[tilespmem:$0x1E980] =	vst v63  }
0x11a: {  	_ = 	snop  }
0x11b: {  	[tilespmem:s18], [sflag:$0x5] =	stream.linear.gather [hbm4b:s0+s4], $0x50, $0x38;
	[tilespmem:$0x1E980] =	vst v63  }
0x11c: {  	_ =	swait.ge [sflag:s13], $0x2800  }
0x11d: {  	[sflag:s13] =	ssyncset.done $0x0  }
0x11e: {  	[sflag:s13] =	ssyncadd.s32 $0xFFFFD800  }
0x11f: {  	_ =	swait.ge [sflag:s24], $0x50  }
0x120: {  	[sflag:s24] =	ssyncset.done $0x0  }
0x121: {  	[sflag:s24] =	ssyncadd.s32 $0xFFFFFFB0  }
0x122: {  	[spmem:s3] =	stream.indirect.scatter.add.f32 [tilespmem:s15], [sflag:$0x8], $0x80, s16, s14, $0xb8;
	[tilespmem:$0x1E980] =	vst v63  }
0x123: {  	_ =	swait.ge [sflag:s25], $0x2800  }
0x124: {  	[sflag:s25] =	ssyncset.done $0x0  }
0x125: {  	s11 =	simm.s32 $0x2670;
	[sflag:s25] =	ssyncadd.s32 $0xFFFFD800  }
0x126: {  	[tilespmem:s15], [sflag:$0x1] =	stream.indirect.gather [hbm4b:s1+s14], $0x80, s11, s14, $0xb8;
	[tilespmem:$0x1E980] =	vst v63  }
0x127: {  	s21 =	rddreg [dreg:$0x8]  }
0x128: {  	[tilespmem:s26], [sflag:$0x6] =	stream.linear.gather [hbm4b:s21+s4], $0x50, $0x38;
	[tilespmem:$0x1E980] =	vst v63  }
0x129: {  	_ =	swait.ge [sflag:s28], $0x2800  }
0x12a: {  	[sflag:s28] =	ssyncset.done $0x0  }
0x12b: {  	[sflag:s28] =	ssyncadd.s32 $0xFFFFD800  }
0x12c: {  	_ =	swait.ge [sflag:s29], $0x50  }
0x12d: {  	[sflag:s29] =	ssyncset.done $0x0  }
0x12e: {  	[sflag:s29] =	ssyncadd.s32 $0xFFFFFFB0  }
0x12f: {  	[spmem:s3] =	stream.indirect.scatter.add.f32 [tilespmem:s17], [sflag:$0x8], $0x80, s18, s14, $0xb8;
	[tilespmem:$0x1E980] =	vst v63  }
0x130: {  	_ =	swait.ge [sflag:s25], $0x2800  }
0x131: {  	[sflag:s25] =	ssyncset.done $0x0  }
0x132: {  	s5 =	simm.s32 $0x26C0;
	[sflag:s25] =	ssyncadd.s32 $0xFFFFD800  }
0x133: {  	[tilespmem:s17], [sflag:$0x2] =	stream.indirect.gather [hbm4b:s1+s14], $0x80, s5, s14, $0xb8;
	[tilespmem:$0x1E980] =	vst v63  }
0x134: {  	s7 =	rddreg [dreg:$0x9]  }
0x135: {  	[tilespmem:s16], [sflag:$0x4] =	stream.linear.gather [hbm4b:s7+s4], $0x50, $0x38;
	[tilespmem:$0x1E980] =	vst v63  }
0x136: {  	_ =	swait.ge [sflag:s30], $0x2800  }
0x137: {  	[sflag:s30] =	ssyncset.done $0x0  }
0x138: {  	[sflag:s30] =	ssyncadd.s32 $0xFFFFD800  }
0x139: {  	_ =	swait.ge [sflag:s31], $0x50  }
0x13a: {  	[sflag:s31] =	ssyncset.done $0x0  }
0x13b: {  	[sflag:s31] =	ssyncadd.s32 $0xFFFFFFB0  }
0x13c: {  	[spmem:s3] =	stream.indirect.scatter.add.f32 [tilespmem:s20], [sflag:$0x8], $0x80, s26, s14, $0xb8;
	[tilespmem:$0x1E980] =	vst v63  }
0x13d: {  	_ =	swait.ge [sflag:s25], $0x2800  }
0x13e: {  	[sflag:s25] =	ssyncset.done $0x0  }
0x13f: {  	s8 =	rddreg [dreg:$0xa];
	[sflag:s25] =	ssyncadd.s32 $0xFFFFD800  }
0x140: {  	[tilespmem:s18], [sflag:$0x5] =	stream.linear.gather [hbm4b:s8+s4], $0x50, $0x38;
	[tilespmem:$0x1E980] =	vst v63  }
0x141: {  	_ =	swait.ge [sflag:s13], $0x2800  }
0x142: {  	[sflag:s13] =	ssyncset.done $0x0  }
0x143: {  	[sflag:s13] =	ssyncadd.s32 $0xFFFFD800  }
0x144: {  	_ =	swait.ge [sflag:s24], $0x50  }
0x145: {  	[sflag:s24] =	ssyncset.done $0x0  }
0x146: {  	[sflag:s24] =	ssyncadd.s32 $0xFFFFFFB0  }
0x147: {  	[spmem:s3] =	stream.indirect.scatter.add.f32 [tilespmem:s15], [sflag:$0x8], $0x80, s16, s14, $0xb8;
	[tilespmem:$0x1E980] =	vst v63  }
0x148: {  	_ =	swait.ge [sflag:s25], $0x2800  }
0x149: {  	[sflag:s25] =	ssyncset.done $0x0  }
0x14a: {  	[sflag:s25] =	ssyncadd.s32 $0xFFFFD800  }
0x14b: {  	_ =	swait.ge [sflag:s28], $0x2800  }
0x14c: {  	[sflag:s28] =	ssyncset.done $0x0  }
0x14d: {  	[sflag:s28] =	ssyncadd.s32 $0xFFFFD800  }
0x14e: {  	_ =	swait.ge [sflag:s29], $0x50  }
0x14f: {  	[sflag:s29] =	ssyncset.done $0x0  }
0x150: {  	[sflag:s29] =	ssyncadd.s32 $0xFFFFFFB0  }
0x151: {  	[spmem:s3] =	stream.indirect.scatter.add.f32 [tilespmem:s17], [sflag:$0x8], $0x80, s18, s14, $0xb8;
	[tilespmem:$0x1E980] =	vst v63  }
0x152: {  	_ =	swait.ge [sflag:s25], $0x2800  }
0x153: {  	[sflag:s25] =	ssyncset.done $0x0  }
0x154: {  	s9 =	stileid.u32;
	[sflag:s25] =	ssyncadd.s32 $0xFFFFD800  }
0x155: {  	s0 =	sshll.u32 s9, $0x6;
	[bflag:$0x0] =	sbarrier.arrive $0xFFFF  }
0x156: {  	s10 =	sshrl.u32 s6, $0x3;
	s0 =	sor.u32 $0x1C08, s0;
	s11 =	rddreg [dreg:$0xb]  }
0x157: {  	[hbm:s11], [sflag:s0] =	dma.local [spmem:s10], $0x2700  }
0x158: {  	_ =	swait.ge [sflag:s25], $0x2700  }
0x159: {  	[sflag:s25] =	ssyncset.done $0x0;
	s5 =	rddreg [dreg:$0xc]  }
0x15a: {  	s7 =	rddreg [dreg:$0x16];
	[sflag:s25] =	ssyncadd.s32 $0xFFFFD900  }
0x15b: {  	[hbm:s5], [sflag:s0] =	dma.local @!p0 [spmem:s7], $0x100  }
0x15c: {  	s0 =	simm.s32 @!p0 $0x8  }
0x15d: {  	_ =	swait.ge @!p0 [sflag:s0], $0x100  }
0x15e: {  	s2 =	sadd.s32 $0x1, s2;
	s21 =	rddreg [dreg:$0xd]  }
0x15f: {  	p1 =	sne.s32 s2, s21  }
.Ltmp2:
0x160: {  	_ = 	snop;
	(pc) =	sbr.rel @p1 .LBB2_1-.Ltmp2, $3  }
0x161: {  	_ =	sdelay $0x1  }
0x162: {  	[sflag:s0] =	ssyncset.done @!p0 $0x0  }
0x163: {  	[sflag:s0] =	ssyncadd.s32 @!p0 $0xFFFFFF00  }
0x164: {  	_ =	sfence.sel $0x180000  }
0x165: {  	[bflag:$0x0] =	sbarrier.arrive $0xFFFF  }
0x166: {  	_ =	strace $0x90000047  }
0x167: {  	s0 =	stileid.u32;
	[bflag:$0x2] =	sbarrier.arrive $0xFFFF  }
0x168: {  	p0 =	sne.s32 s0, $0x0;
	s0 =	rddreg [dreg:$0x4]  }
0x169: {  	s0 =	sadd.s32 @!p0 $0x100000, s0  }
0x16a: {  	[sflag:s0] =	ssyncadd.tile.s32 @!p0 $0x1;
	_ =	shalt  }
.Lfunc_end2:
_tile_overlayer_lowered:
.L_overlay_start_2:
0x16b: {  	(tag) =	ssettag $0x2  }
0x16c: {  	s0 =	rddreg [dreg:$0x0];
	s2 =	stileid.u32  }
0x16d: {  	s1 =	rddreg [dreg:$0x1];
	p0 =	sne.s32 s2, $0x0  }
0x16e: {  	s3 =	rddreg [dreg:$0x2];
	[bflag:$0x3] =	sbarrier.arrive $0xFFFF;
	s2 =	simm.s32 @!p0 $0x1C08  }
0x16f: {  	[timem:s3], [sflag:s2] =	dma.local @!p0 [hbm:s0], s1  }
0x170: {  	s0 =	simm.s32 @!p0 $0x8  }
0x171: {  	_ =	swait.ge @!p0 [sflag:s0], s1  }
0x172: {  	s1 =	ssub.s32 @!p0 $0x0, s1;
	[sflag:s0] =	ssyncset.done @!p0 $0x0  }
0x173: {  	[sflag:s0] =	ssyncadd.s32 @!p0 s1  }
0x174: {  	[bflag:$0x3] =	sbarrier.arrive $0xFFFF  }
0x175: {  	_ =	shalt  }

</sc_bundles>
